<compile_context>
chip_gen: v7x
topology: tpu7x:2x2x1
jax: 0.10.2.dev20260603
libtpu: 0.0.44.dev20260713+nightly
codegen_flags: <defaults>
</compile_context>

<pallas_src>
import functools

import jax
import jax.numpy as jnp
from jax import lax
from jax.experimental import pallas as pl
from jax.experimental.pallas import tpu as pltpu
from jax.experimental.pallas import tpu_sc as plsc

BATCH = 1024
MPD = 50
EMB = 128
LANES = 16
NC, NS = 2, 16
NW = NC * NS
DOCS_PER_W = BATCH // NW
PAIR = 2
PAIRS_PER_W = DOCS_PER_W // PAIR
NBUF = 4


def _sc_embedding_bag(idx, table, bias):
    mesh = plsc.VectorSubcoreMesh(core_axis_name="c", subcore_axis_name="s")

    @functools.partial(
        pl.kernel,
        out_type=jax.ShapeDtypeStruct((BATCH, EMB), jnp.float32),
        mesh=mesh,
        scratch_types=[
            pltpu.VMEM((PAIRS_PER_W, PAIR * MPD), jnp.int32),
        ]
        + [pltpu.VMEM((PAIR * MPD, EMB), jnp.float32)] * NBUF
        + [
            pltpu.VMEM((DOCS_PER_W, EMB), jnp.float32),
            pltpu.VMEM((EMB,), jnp.float32),
        ]
        + [pltpu.SemaphoreType.DMA] * NBUF,
    )
    def kern(idx_hbm, tab_hbm, b_hbm, out_hbm, idx_v, *rest):
        rows_bufs = rest[:NBUF]
        out_v, bias_v = rest[NBUF], rest[NBUF + 1]
        sems = rest[NBUF + 2:]
        wid = lax.axis_index("s") * NC + lax.axis_index("c")
        base = wid * DOCS_PER_W
        pltpu.sync_copy(b_hbm, bias_v)
        pltpu.sync_copy(idx_hbm.at[pl.ds(wid * PAIRS_PER_W, PAIRS_PER_W)], idx_v)

        for j in range(NBUF):
            pltpu.async_copy(tab_hbm.at[idx_v.at[j]], rows_bufs[j], sems[j])

        @pl.loop(0, PAIRS_PER_W, step=NBUF)
        def _pair(p0):
            for j in range(NBUF):
                p = p0 + j
                rows = rows_bufs[j]
                pltpu.make_async_copy(
                    tab_hbm.at[idx_v.at[p]], rows, sems[j]).wait()
                for sub in range(PAIR):
                    accs0 = tuple(bias_v[pl.ds(c * LANES, LANES)]
                                  for c in range(EMB // LANES))

                    def body(r, accs):
                        return tuple(
                            accs[c] + rows[r, pl.ds(c * LANES, LANES)]
                            for c in range(EMB // LANES))

                    accs = plsc.parallel_loop(
                        sub * MPD, (sub + 1) * MPD, 1, unroll=5,
                        carry=accs0)(body)
                    d = p * PAIR + sub
                    for c in range(EMB // LANES):
                        out_v[d, pl.ds(c * LANES, LANES)] = jnp.maximum(
                            accs[c], 0.0)

                @pl.when(p + NBUF < PAIRS_PER_W)
                def _():
                    pltpu.async_copy(
                        tab_hbm.at[idx_v.at[p + NBUF]], rows, sems[j])

        pltpu.sync_copy(out_v, out_hbm.at[pl.ds(base, DOCS_PER_W)])

    return kern(idx, table, bias)


def kernel(document_mention_indices, W, b):
    idx = document_mention_indices.astype(jnp.int32).reshape(
        BATCH // PAIR, PAIR * MPD)
    table = W.T
    return _sc_embedding_bag(idx, table, b)

# --- scband reference (transcript-rebuilt; emitter-appended) ---
"""Pipeline reference for scband-document-context-encoder-48481590837700 (READ-ONLY COPY).

The authoritative reference and input builder live on the scoring server;
editing this copy changes nothing except your own understanding.
"""

import jax, jax.numpy as jnp
import numpy as np

BATCH = 1024
NUM_MENTIONS = 100000
CONTEXT_EMBED_LEN = 128
MENTIONS_PER_DOC = 50


def setup_inputs(seed: int = 0) -> dict:
    key = jax.random.key(seed)
    k1, k2, k3 = jax.random.split(key, 3)
    document_mention_indices = jax.random.randint(
        k1, (BATCH, MENTIONS_PER_DOC), 0, NUM_MENTIONS, dtype=jnp.int64
        if jax.config.jax_enable_x64 else jnp.int32)
    # nn.Linear(num_mentions, context_embed_len): weight [out, in], bias [out]
    bound = 1.0 / np.sqrt(NUM_MENTIONS)
    W = jax.random.uniform(k2, (CONTEXT_EMBED_LEN, NUM_MENTIONS), dtype=jnp.float32,
                           minval=-bound, maxval=bound)
    b = jax.random.uniform(k3, (CONTEXT_EMBED_LEN,), dtype=jnp.float32,
                           minval=-bound, maxval=bound)
    return {"document_mention_indices": document_mention_indices, "W": W, "b": b}


def reference(document_mention_indices, W, b):
    # Faithful translation: build a sparse multi-hot surface tensor
    # [batch, num_mentions] with a 1.0 at (doc, mention_idx) for every mention
    # (duplicates accumulate, matching torch sparse coalesce-add semantics),
    # then apply Linear + ReLU.
    batch_size, mentions_per_doc = document_mention_indices.shape
    rows = jnp.repeat(jnp.arange(batch_size), mentions_per_doc)
    cols = document_mention_indices.reshape(-1)
    mention_surfaces = jnp.zeros((batch_size, NUM_MENTIONS), dtype=jnp.float32)
    mention_surfaces = mention_surfaces.at[rows, cols].add(1.0)  # scatter-add
    out = mention_surfaces @ W.T + b
    return jax.nn.relu(out)

if __name__ == "__main__":
    import jax
    _d = setup_inputs()
    print(jax.jit(kernel)(*tuple(_d.values())))

</pallas_src>

<mosaic_0001>
#map = affine_map<(d0, d1) -> (0, 0)>
#map1 = affine_map<(d0, d1) -> (0)>
module attributes {stable_mosaic.version = 14 : i64} {
  func.func @kern(%arg0: i32, %arg1: i32, %arg2: memref<512x100xi32, #tpu.memory_space<hbm>>, %arg3: memref<100000x128xf32, #tpu.memory_space<hbm>>, %arg4: memref<128xf32, #tpu.memory_space<hbm>>, %arg5: memref<1024x128xf32, #tpu.memory_space<hbm>>, %arg6: memref<16x100xi32, #tpu.memory_space<vmem>>, %arg7: memref<100x128xf32, #tpu.memory_space<vmem>>, %arg8: memref<100x128xf32, #tpu.memory_space<vmem>>, %arg9: memref<100x128xf32, #tpu.memory_space<vmem>>, %arg10: memref<100x128xf32, #tpu.memory_space<vmem>>, %arg11: memref<32x128xf32, #tpu.memory_space<vmem>>, %arg12: memref<128xf32, #tpu.memory_space<vmem>>, %arg13: memref<!tpu.dma_semaphore, #tpu.memory_space<semaphore_mem>>, %arg14: memref<!tpu.dma_semaphore, #tpu.memory_space<semaphore_mem>>, %arg15: memref<!tpu.dma_semaphore, #tpu.memory_space<semaphore_mem>>, %arg16: memref<!tpu.dma_semaphore, #tpu.memory_space<semaphore_mem>>) attributes {dimension_semantics = [#tpu.dimension_semantics<core_parallel>, #tpu.dimension_semantics<subcore_parallel>], iteration_bounds = array<i64: 2, 16>, scalar_prefetch = 0 : i64, scratch_operands = 11 : i64, tpu.core_type = #tpu.core_type<sc_vector_subcore>, window_params = [{transform_indices = #map}, {transform_indices = #map}, {transform_indices = #map1}, {transform_indices = #map}]} {
    %mul3A = arith.constant 2 : i32
    %mul3A_0 = arith.muli %arg1, %mul3A : i32
    %add3A = arith.addi %mul3A_0, %arg0 : i32
    %mul3A_1 = arith.constant 32 : i32
    %mul3A_2 = arith.muli %add3A, %mul3A_1 : i32
    "tpu.region"() ({
      %run_scoped3A = tpu.sem_alloc : memref<!tpu.dma_semaphore, #tpu.memory_space<semaphore_mem>>
      tpu.enqueue_dma source(%arg4 : memref<128xf32, #tpu.memory_space<hbm>>) target(%arg12 : memref<128xf32, #tpu.memory_space<vmem>>) target_semaphore(%run_scoped3A : memref<!tpu.dma_semaphore, #tpu.memory_space<semaphore_mem>>)
      tpu.wait_dma2 semaphore(%run_scoped3A : memref<!tpu.dma_semaphore, #tpu.memory_space<semaphore_mem>>) src(%arg4 : memref<128xf32, #tpu.memory_space<hbm>>) dst(%arg12 : memref<128xf32, #tpu.memory_space<vmem>>)
      tpu.yield
    }) : () -> ()
    %mul3A_3 = arith.constant 16 : i32
    %mul3A_4 = arith.muli %add3A, %mul3A_3 : i32
    "tpu.region"() ({
      %run_scoped3A = tpu.sem_alloc : memref<!tpu.dma_semaphore, #tpu.memory_space<semaphore_mem>>
      %dma_start3A_36 = arith.constant 0 : i32
      %dma_start3A_37 = tpu.memref_slice %arg2[%mul3A_4, %dma_start3A_36] : memref<512x100xi32, #tpu.memory_space<hbm>> -> memref<16x100xi32, #tpu.memory_space<hbm>>
      %dma_start3A_38 = arith.constant 0 : i32
      %dma_start3A_39 = tpu.memref_slice %arg2[%mul3A_4, %dma_start3A_38] : memref<512x100xi32, #tpu.memory_space<hbm>> -> memref<16x100xi32, #tpu.memory_space<hbm>>
      tpu.enqueue_dma source(%dma_start3A_39 : memref<16x100xi32, #tpu.memory_space<hbm>>) target(%arg6 : memref<16x100xi32, #tpu.memory_space<vmem>>) target_semaphore(%run_scoped3A : memref<!tpu.dma_semaphore, #tpu.memory_space<semaphore_mem>>)
      %dma_wait3A = arith.constant 0 : i32
      %dma_wait3A_40 = tpu.memref_slice %arg2[%mul3A_4, %dma_wait3A] : memref<512x100xi32, #tpu.memory_space<hbm>> -> memref<16x100xi32, #tpu.memory_space<hbm>>
      %dma_wait3A_41 = arith.constant 0 : i32
      %dma_wait3A_42 = tpu.memref_slice %arg2[%mul3A_4, %dma_wait3A_41] : memref<512x100xi32, #tpu.memory_space<hbm>> -> memref<16x100xi32, #tpu.memory_space<hbm>>
      tpu.wait_dma2 semaphore(%run_scoped3A : memref<!tpu.dma_semaphore, #tpu.memory_space<semaphore_mem>>) src(%dma_wait3A_42 : memref<16x100xi32, #tpu.memory_space<hbm>>) dst(%arg6 : memref<16x100xi32, #tpu.memory_space<vmem>>)
      tpu.yield
    }) : () -> ()
    %dma_start3A = arith.constant 0 : i32
    %dma_start3A_5 = arith.constant 0 : i32
    %dma_start3A_6 = tpu.memref_slice %arg6[%dma_start3A, %dma_start3A_5] : memref<16x100xi32, #tpu.memory_space<vmem>> -> memref<1x100xi32, #tpu.memory_space<vmem>>
    %dma_start3A_7 = tpu.memref_squeeze %dma_start3A_6 : memref<1x100xi32, #tpu.memory_space<vmem>> -> memref<100xi32, #tpu.memory_space<vmem>>
    %dma_start3A_8 = arith.constant 0 : i32
    %dma_start3A_9 = arith.constant 0 : i32
    %dma_start3A_10 = tpu.memref_slice %arg3[%dma_start3A_8, %dma_start3A_9] : memref<100000x128xf32, #tpu.memory_space<hbm>> -> memref<100000x128xf32, #tpu.memory_space<hbm>>
    tpu.enqueue_indirect_dma source(%dma_start3A_10 : memref<100000x128xf32, #tpu.memory_space<hbm>>) target(%arg7 : memref<100x128xf32, #tpu.memory_space<vmem>>) offsets(%dma_start3A_7 : memref<100xi32, #tpu.memory_space<vmem>>) semaphore(%arg13 : memref<!tpu.dma_semaphore, #tpu.memory_space<semaphore_mem>>)
    %dma_start3A_11 = arith.constant 1 : i32
    %dma_start3A_12 = arith.constant 0 : i32
    %dma_start3A_13 = tpu.memref_slice %arg6[%dma_start3A_11, %dma_start3A_12] : memref<16x100xi32, #tpu.memory_space<vmem>> -> memref<1x100xi32, #tpu.memory_space<vmem>>
    %dma_start3A_14 = tpu.memref_squeeze %dma_start3A_13 : memref<1x100xi32, #tpu.memory_space<vmem>> -> memref<100xi32, #tpu.memory_space<vmem>>
    %dma_start3A_15 = arith.constant 0 : i32
    %dma_start3A_16 = arith.constant 0 : i32
    %dma_start3A_17 = tpu.memref_slice %arg3[%dma_start3A_15, %dma_start3A_16] : memref<100000x128xf32, #tpu.memory_space<hbm>> -> memref<100000x128xf32, #tpu.memory_space<hbm>>
    tpu.enqueue_indirect_dma source(%dma_start3A_17 : memref<100000x128xf32, #tpu.memory_space<hbm>>) target(%arg8 : memref<100x128xf32, #tpu.memory_space<vmem>>) offsets(%dma_start3A_14 : memref<100xi32, #tpu.memory_space<vmem>>) semaphore(%arg14 : memref<!tpu.dma_semaphore, #tpu.memory_space<semaphore_mem>>)
    %dma_start3A_18 = arith.constant 2 : i32
    %dma_start3A_19 = arith.constant 0 : i32
    %dma_start3A_20 = tpu.memref_slice %arg6[%dma_start3A_18, %dma_start3A_19] : memref<16x100xi32, #tpu.memory_space<vmem>> -> memref<1x100xi32, #tpu.memory_space<vmem>>
    %dma_start3A_21 = tpu.memref_squeeze %dma_start3A_20 : memref<1x100xi32, #tpu.memory_space<vmem>> -> memref<100xi32, #tpu.memory_space<vmem>>
    %dma_start3A_22 = arith.constant 0 : i32
    %dma_start3A_23 = arith.constant 0 : i32
    %dma_start3A_24 = tpu.memref_slice %arg3[%dma_start3A_22, %dma_start3A_23] : memref<100000x128xf32, #tpu.memory_space<hbm>> -> memref<100000x128xf32, #tpu.memory_space<hbm>>
    tpu.enqueue_indirect_dma source(%dma_start3A_24 : memref<100000x128xf32, #tpu.memory_space<hbm>>) target(%arg9 : memref<100x128xf32, #tpu.memory_space<vmem>>) offsets(%dma_start3A_21 : memref<100xi32, #tpu.memory_space<vmem>>) semaphore(%arg15 : memref<!tpu.dma_semaphore, #tpu.memory_space<semaphore_mem>>)
    %dma_start3A_25 = arith.constant 3 : i32
    %dma_start3A_26 = arith.constant 0 : i32
    %dma_start3A_27 = tpu.memref_slice %arg6[%dma_start3A_25, %dma_start3A_26] : memref<16x100xi32, #tpu.memory_space<vmem>> -> memref<1x100xi32, #tpu.memory_space<vmem>>
    %dma_start3A_28 = tpu.memref_squeeze %dma_start3A_27 : memref<1x100xi32, #tpu.memory_space<vmem>> -> memref<100xi32, #tpu.memory_space<vmem>>
    %dma_start3A_29 = arith.constant 0 : i32
    %dma_start3A_30 = arith.constant 0 : i32
    %dma_start3A_31 = tpu.memref_slice %arg3[%dma_start3A_29, %dma_start3A_30] : memref<100000x128xf32, #tpu.memory_space<hbm>> -> memref<100000x128xf32, #tpu.memory_space<hbm>>
    tpu.enqueue_indirect_dma source(%dma_start3A_31 : memref<100000x128xf32, #tpu.memory_space<hbm>>) target(%arg10 : memref<100x128xf32, #tpu.memory_space<vmem>>) offsets(%dma_start3A_28 : memref<100xi32, #tpu.memory_space<vmem>>) semaphore(%arg16 : memref<!tpu.dma_semaphore, #tpu.memory_space<semaphore_mem>>)
    %scan3A = arith.constant 0 : i32
    %scan3A_32 = arith.constant 4 : i32
    %scan3A_33 = arith.addi %scan3A, %scan3A_32 : i32
    %scan3A_34 = arith.constant 1 : i32
    scf.for %scan3A_36 = %scan3A to %scan3A_33 step %scan3A_34  : i32 {
      %mul3A_37 = arith.constant 4 : i32
      %mul3A_38 = arith.muli %scan3A_36, %mul3A_37 : i32
      %add3A_39 = arith.constant 0 : i32
      %add3A_40 = arith.addi %add3A_39, %mul3A_38 : i32
      %add3A_41 = arith.constant 0 : i32
      %add3A_42 = arith.addi %add3A_40, %add3A_41 : i32
      %dma_wait3A = arith.constant 0 : i32
      %dma_wait3A_43 = tpu.memref_slice %arg6[%add3A_42, %dma_wait3A] : memref<16x100xi32, #tpu.memory_space<vmem>> -> memref<1x100xi32, #tpu.memory_space<vmem>>
      %dma_wait3A_44 = tpu.memref_squeeze %dma_wait3A_43 : memref<1x100xi32, #tpu.memory_space<vmem>> -> memref<100xi32, #tpu.memory_space<vmem>>
      %dma_wait3A_45 = arith.constant 0 : i32
      %dma_wait3A_46 = arith.constant 0 : i32
      %dma_wait3A_47 = tpu.memref_slice %arg3[%dma_wait3A_45, %dma_wait3A_46] : memref<100000x128xf32, #tpu.memory_space<hbm>> -> memref<100000x128xf32, #tpu.memory_space<hbm>>
      tpu.wait_indirect_dma semaphore(%arg13 : memref<!tpu.dma_semaphore, #tpu.memory_space<semaphore_mem>>) src(%dma_wait3A_47 : memref<100000x128xf32, #tpu.memory_space<hbm>>) dst(%arg7 : memref<100x128xf32, #tpu.memory_space<vmem>>)
      %get3A = arith.constant 0 : index
      %get3A_48 = tpu.vector_load %arg12[%get3A] {strides = array<i32>} : memref<128xf32, #tpu.memory_space<vmem>>, vector<16xf32>,
      %get3A_49 = vector.shape_cast %get3A_48 : vector<16xf32> to vector<16xf32>
      %get3A_50 = arith.constant 16 : index
      %get3A_51 = tpu.vector_load %arg12[%get3A_50] {strides = array<i32>} : memref<128xf32, #tpu.memory_space<vmem>>, vector<16xf32>,
      %get3A_52 = vector.shape_cast %get3A_51 : vector<16xf32> to vector<16xf32>
      %get3A_53 = arith.constant 32 : index
      %get3A_54 = tpu.vector_load %arg12[%get3A_53] {strides = array<i32>} : memref<128xf32, #tpu.memory_space<vmem>>, vector<16xf32>,
      %get3A_55 = vector.shape_cast %get3A_54 : vector<16xf32> to vector<16xf32>
      %get3A_56 = arith.constant 48 : index
      %get3A_57 = tpu.vector_load %arg12[%get3A_56] {strides = array<i32>} : memref<128xf32, #tpu.memory_space<vmem>>, vector<16xf32>,
      %get3A_58 = vector.shape_cast %get3A_57 : vector<16xf32> to vector<16xf32>
      %get3A_59 = arith.constant 64 : index
      %get3A_60 = tpu.vector_load %arg12[%get3A_59] {strides = array<i32>} : memref<128xf32, #tpu.memory_space<vmem>>, vector<16xf32>,
      %get3A_61 = vector.shape_cast %get3A_60 : vector<16xf32> to vector<16xf32>
      %get3A_62 = arith.constant 80 : index
      %get3A_63 = tpu.vector_load %arg12[%get3A_62] {strides = array<i32>} : memref<128xf32, #tpu.memory_space<vmem>>, vector<16xf32>,
      %get3A_64 = vector.shape_cast %get3A_63 : vector<16xf32> to vector<16xf32>
      %get3A_65 = arith.constant 96 : index
      %get3A_66 = tpu.vector_load %arg12[%get3A_65] {strides = array<i32>} : memref<128xf32, #tpu.memory_space<vmem>>, vector<16xf32>,
      %get3A_67 = vector.shape_cast %get3A_66 : vector<16xf32> to vector<16xf32>
      %get3A_68 = arith.constant 112 : index
      %get3A_69 = tpu.vector_load %arg12[%get3A_68] {strides = array<i32>} : memref<128xf32, #tpu.memory_space<vmem>>, vector<16xf32>,
      %get3A_70 = vector.shape_cast %get3A_69 : vector<16xf32> to vector<16xf32>
      %parallel_loop3A = arith.constant 0 : i32
      %parallel_loop3A_71 = arith.constant 50 : i32
      %parallel_loop3A_72 = arith.constant 1 : i32
      %parallel_loop3A_73:8 = scf.for %parallel_loop3A_861 = %parallel_loop3A to %parallel_loop3A_71 step %parallel_loop3A_72 iter_args(%parallel_loop3A_862 = %get3A_49, %parallel_loop3A_863 = %get3A_52, %parallel_loop3A_864 = %get3A_55, %parallel_loop3A_865 = %get3A_58, %parallel_loop3A_866 = %get3A_61, %parallel_loop3A_867 = %get3A_64, %parallel_loop3A_868 = %get3A_67, %parallel_loop3A_869 = %get3A_70) -> (vector<16xf32>, vector<16xf32>, vector<16xf32>, vector<16xf32>, vector<16xf32>, vector<16xf32>, vector<16xf32>, vector<16xf32>)  : i32 {
        %parallel_loop3A_870 = arith.index_cast %parallel_loop3A_861 : i32 to index
        %parallel_loop3A_871 = arith.constant 0 : index
        %parallel_loop3A_872 = tpu.vector_load %arg7[%parallel_loop3A_870, %parallel_loop3A_871] {strides = array<i32>} : memref<100x128xf32, #tpu.memory_space<vmem>>, vector<1x16xf32>,
        %parallel_loop3A_873 = vector.shape_cast %parallel_loop3A_872 : vector<1x16xf32> to vector<16xf32>
        %parallel_loop3A_874 = arith.addf %parallel_loop3A_862, %parallel_loop3A_873 : vector<16xf32>
        %parallel_loop3A_875 = arith.index_cast %parallel_loop3A_861 : i32 to index
        %parallel_loop3A_876 = arith.constant 16 : index
        %parallel_loop3A_877 = tpu.vector_load %arg7[%parallel_loop3A_875, %parallel_loop3A_876] {strides = array<i32>} : memref<100x128xf32, #tpu.memory_space<vmem>>, vector<1x16xf32>,
        %parallel_loop3A_878 = vector.shape_cast %parallel_loop3A_877 : vector<1x16xf32> to vector<16xf32>
        %parallel_loop3A_879 = arith.addf %parallel_loop3A_863, %parallel_loop3A_878 : vector<16xf32>
        %parallel_loop3A_880 = arith.index_cast %parallel_loop3A_861 : i32 to index
        %parallel_loop3A_881 = arith.constant 32 : index
        %parallel_loop3A_882 = tpu.vector_load %arg7[%parallel_loop3A_880, %parallel_loop3A_881] {strides = array<i32>} : memref<100x128xf32, #tpu.memory_space<vmem>>, vector<1x16xf32>,
        %parallel_loop3A_883 = vector.shape_cast %parallel_loop3A_882 : vector<1x16xf32> to vector<16xf32>
        %parallel_loop3A_884 = arith.addf %parallel_loop3A_864, %parallel_loop3A_883 : vector<16xf32>
        %parallel_loop3A_885 = arith.index_cast %parallel_loop3A_861 : i32 to index
        %parallel_loop3A_886 = arith.constant 48 : index
        %parallel_loop3A_887 = tpu.vector_load %arg7[%parallel_loop3A_885, %parallel_loop3A_886] {strides = array<i32>} : memref<100x128xf32, #tpu.memory_space<vmem>>, vector<1x16xf32>,
        %parallel_loop3A_888 = vector.shape_cast %parallel_loop3A_887 : vector<1x16xf32> to vector<16xf32>
        %parallel_loop3A_889 = arith.addf %parallel_loop3A_865, %parallel_loop3A_888 : vector<16xf32>
        %parallel_loop3A_890 = arith.index_cast %parallel_loop3A_861 : i32 to index
        %parallel_loop3A_891 = arith.constant 64 : index
        %parallel_loop3A_892 = tpu.vector_load %arg7[%parallel_loop3A_890, %parallel_loop3A_891] {strides = array<i32>} : memref<100x128xf32, #tpu.memory_space<vmem>>, vector<1x16xf32>,
        %parallel_loop3A_893 = vector.shape_cast %parallel_loop3A_892 : vector<1x16xf32> to vector<16xf32>
        %parallel_loop3A_894 = arith.addf %parallel_loop3A_866, %parallel_loop3A_893 : vector<16xf32>
        %parallel_loop3A_895 = arith.index_cast %parallel_loop3A_861 : i32 to index
        %parallel_loop3A_896 = arith.constant 80 : index
        %parallel_loop3A_897 = tpu.vector_load %arg7[%parallel_loop3A_895, %parallel_loop3A_896] {strides = array<i32>} : memref<100x128xf32, #tpu.memory_space<vmem>>, vector<1x16xf32>,
        %parallel_loop3A_898 = vector.shape_cast %parallel_loop3A_897 : vector<1x16xf32> to vector<16xf32>
        %parallel_loop3A_899 = arith.addf %parallel_loop3A_867, %parallel_loop3A_898 : vector<16xf32>
        %parallel_loop3A_900 = arith.index_cast %parallel_loop3A_861 : i32 to index
        %parallel_loop3A_901 = arith.constant 96 : index
        %parallel_loop3A_902 = tpu.vector_load %arg7[%parallel_loop3A_900, %parallel_loop3A_901] {strides = array<i32>} : memref<100x128xf32, #tpu.memory_space<vmem>>, vector<1x16xf32>,
        %parallel_loop3A_903 = vector.shape_cast %parallel_loop3A_902 : vector<1x16xf32> to vector<16xf32>
        %parallel_loop3A_904 = arith.addf %parallel_loop3A_868, %parallel_loop3A_903 : vector<16xf32>
        %parallel_loop3A_905 = arith.index_cast %parallel_loop3A_861 : i32 to index
        %parallel_loop3A_906 = arith.constant 112 : index
        %parallel_loop3A_907 = tpu.vector_load %arg7[%parallel_loop3A_905, %parallel_loop3A_906] {strides = array<i32>} : memref<100x128xf32, #tpu.memory_space<vmem>>, vector<1x16xf32>,
        %parallel_loop3A_908 = vector.shape_cast %parallel_loop3A_907 : vector<1x16xf32> to vector<16xf32>
        %parallel_loop3A_909 = arith.addf %parallel_loop3A_869, %parallel_loop3A_908 : vector<16xf32>
        scf.yield %parallel_loop3A_874, %parallel_loop3A_879, %parallel_loop3A_884, %parallel_loop3A_889, %parallel_loop3A_894, %parallel_loop3A_899, %parallel_loop3A_904, %parallel_loop3A_909 : vector<16xf32>, vector<16xf32>, vector<16xf32>, vector<16xf32>, vector<16xf32>, vector<16xf32>, vector<16xf32>, vector<16xf32>
      } {sc.loop_unroll_factor = 5 : i64, sc.parallel_access}
      %mul3A_74 = arith.constant 2 : i32
      %mul3A_75 = arith.muli %add3A_42, %mul3A_74 : i32
      %add3A_76 = arith.constant 0 : i32
      %add3A_77 = arith.addi %mul3A_75, %add3A_76 : i32
      %max3A = arith.constant 0.000000e+00 : f32
      %max3A_78 = vector.broadcast %max3A : f32 to vector<16xf32>
      %max3A_79 = arith.maximumf %parallel_loop3A_73#0, %max3A_78 : vector<16xf32>
      %swap3A = arith.index_cast %add3A_77 : i32 to index
      %swap3A_80 = arith.constant 0 : index
      %swap3A_81 = tpu.vector_load %arg11[%swap3A, %swap3A_80] {strides = array<i32>} : memref<32x128xf32, #tpu.memory_space<vmem>>, vector<1x16xf32>,
      %swap3A_82 = vector.shape_cast %swap3A_81 : vector<1x16xf32> to vector<16xf32>
      %swap3A_83 = vector.shape_cast %max3A_79 : vector<16xf32> to vector<1x16xf32>
      tpu.vector_store %arg11[%swap3A, %swap3A_80], %swap3A_83 {strides = array<i32>} : memref<32x128xf32, #tpu.memory_space<vmem>>, vector<1x16xf32>,
      %max3A_84 = arith.constant 0.000000e+00 : f32
      %max3A_85 = vector.broadcast %max3A_84 : f32 to vector<16xf32>
      %max3A_86 = arith.maximumf %parallel_loop3A_73#1, %max3A_85 : vector<16xf32>
      %swap3A_87 = arith.index_cast %add3A_77 : i32 to index
      %swap3A_88 = arith.constant 16 : index
      %swap3A_89 = tpu.vector_load %arg11[%swap3A_87, %swap3A_88] {strides = array<i32>} : memref<32x128xf32, #tpu.memory_space<vmem>>, vector<1x16xf32>,
      %swap3A_90 = vector.shape_cast %swap3A_89 : vector<1x16xf32> to vector<16xf32>
      %swap3A_91 = vector.shape_cast %max3A_86 : vector<16xf32> to vector<1x16xf32>
      tpu.vector_store %arg11[%swap3A_87, %swap3A_88], %swap3A_91 {strides = array<i32>} : memref<32x128xf32, #tpu.memory_space<vmem>>, vector<1x16xf32>,
      %max3A_92 = arith.constant 0.000000e+00 : f32
      %max3A_93 = vector.broadcast %max3A_92 : f32 to vector<16xf32>
      %max3A_94 = arith.maximumf %parallel_loop3A_73#2, %max3A_93 : vector<16xf32>
      %swap3A_95 = arith.index_cast %add3A_77 : i32 to index
      %swap3A_96 = arith.constant 32 : index
      %swap3A_97 = tpu.vector_load %arg11[%swap3A_95, %swap3A_96] {strides = array<i32>} : memref<32x128xf32, #tpu.memory_space<vmem>>, vector<1x16xf32>,
      %swap3A_98 = vector.shape_cast %swap3A_97 : vector<1x16xf32> to vector<16xf32>
      %swap3A_99 = vector.shape_cast %max3A_94 : vector<16xf32> to vector<1x16xf32>
      tpu.vector_store %arg11[%swap3A_95, %swap3A_96], %swap3A_99 {strides = array<i32>} : memref<32x128xf32, #tpu.memory_space<vmem>>, vector<1x16xf32>,
      %max3A_100 = arith.constant 0.000000e+00 : f32
      %max3A_101 = vector.broadcast %max3A_100 : f32 to vector<16xf32>
      %max3A_102 = arith.maximumf %parallel_loop3A_73#3, %max3A_101 : vector<16xf32>
      %swap3A_103 = arith.index_cast %add3A_77 : i32 to index
      %swap3A_104 = arith.constant 48 : index
      %swap3A_105 = tpu.vector_load %arg11[%swap3A_103, %swap3A_104] {strides = array<i32>} : memref<32x128xf32, #tpu.memory_space<vmem>>, vector<1x16xf32>,
      %swap3A_106 = vector.shape_cast %swap3A_105 : vector<1x16xf32> to vector<16xf32>
      %swap3A_107 = vector.shape_cast %max3A_102 : vector<16xf32> to vector<1x16xf32>
      tpu.vector_store %arg11[%swap3A_103, %swap3A_104], %swap3A_107 {strides = array<i32>} : memref<32x128xf32, #tpu.memory_space<vmem>>, vector<1x16xf32>,
      %max3A_108 = arith.constant 0.000000e+00 : f32
      %max3A_109 = vector.broadcast %max3A_108 : f32 to vector<16xf32>
      %max3A_110 = arith.maximumf %parallel_loop3A_73#4, %max3A_109 : vector<16xf32>
      %swap3A_111 = arith.index_cast %add3A_77 : i32 to index
      %swap3A_112 = arith.constant 64 : index
      %swap3A_113 = tpu.vector_load %arg11[%swap3A_111, %swap3A_112] {strides = array<i32>} : memref<32x128xf32, #tpu.memory_space<vmem>>, vector<1x16xf32>,
      %swap3A_114 = vector.shape_cast %swap3A_113 : vector<1x16xf32> to vector<16xf32>
      %swap3A_115 = vector.shape_cast %max3A_110 : vector<16xf32> to vector<1x16xf32>
      tpu.vector_store %arg11[%swap3A_111, %swap3A_112], %swap3A_115 {strides = array<i32>} : memref<32x128xf32, #tpu.memory_space<vmem>>, vector<1x16xf32>,
      %max3A_116 = arith.constant 0.000000e+00 : f32
      %max3A_117 = vector.broadcast %max3A_116 : f32 to vector<16xf32>
      %max3A_118 = arith.maximumf %parallel_loop3A_73#5, %max3A_117 : vector<16xf32>
      %swap3A_119 = arith.index_cast %add3A_77 : i32 to index
      %swap3A_120 = arith.constant 80 : index
      %swap3A_121 = tpu.vector_load %arg11[%swap3A_119, %swap3A_120] {strides = array<i32>} : memref<32x128xf32, #tpu.memory_space<vmem>>, vector<1x16xf32>,
      %swap3A_122 = vector.shape_cast %swap3A_121 : vector<1x16xf32> to vector<16xf32>
      %swap3A_123 = vector.shape_cast %max3A_118 : vector<16xf32> to vector<1x16xf32>
      tpu.vector_store %arg11[%swap3A_119, %swap3A_120], %swap3A_123 {strides = array<i32>} : memref<32x128xf32, #tpu.memory_space<vmem>>, vector<1x16xf32>,
      %max3A_124 = arith.constant 0.000000e+00 : f32
      %max3A_125 = vector.broadcast %max3A_124 : f32 to vector<16xf32>
      %max3A_126 = arith.maximumf %parallel_loop3A_73#6, %max3A_125 : vector<16xf32>
      %swap3A_127 = arith.index_cast %add3A_77 : i32 to index
      %swap3A_128 = arith.constant 96 : index
      %swap3A_129 = tpu.vector_load %arg11[%swap3A_127, %swap3A_128] {strides = array<i32>} : memref<32x128xf32, #tpu.memory_space<vmem>>, vector<1x16xf32>,
      %swap3A_130 = vector.shape_cast %swap3A_129 : vector<1x16xf32> to vector<16xf32>
      %swap3A_131 = vector.shape_cast %max3A_126 : vector<16xf32> to vector<1x16xf32>
      tpu.vector_store %arg11[%swap3A_127, %swap3A_128], %swap3A_131 {strides = array<i32>} : memref<32x128xf32, #tpu.memory_space<vmem>>, vector<1x16xf32>,
      %max3A_132 = arith.constant 0.000000e+00 : f32
      %max3A_133 = vector.broadcast %max3A_132 : f32 to vector<16xf32>
      %max3A_134 = arith.maximumf %parallel_loop3A_73#7, %max3A_133 : vector<16xf32>
      %swap3A_135 = arith.index_cast %add3A_77 : i32 to index
      %swap3A_136 = arith.constant 112 : index
      %swap3A_137 = tpu.vector_load %arg11[%swap3A_135, %swap3A_136] {strides = array<i32>} : memref<32x128xf32, #tpu.memory_space<vmem>>, vector<1x16xf32>,
      %swap3A_138 = vector.shape_cast %swap3A_137 : vector<1x16xf32> to vector<16xf32>
      %swap3A_139 = vector.shape_cast %max3A_134 : vector<16xf32> to vector<1x16xf32>
      tpu.vector_store %arg11[%swap3A_135, %swap3A_136], %swap3A_139 {strides = array<i32>} : memref<32x128xf32, #tpu.memory_space<vmem>>, vector<1x16xf32>,
      %get3A_140 = arith.constant 0 : index
      %get3A_141 = tpu.vector_load %arg12[%get3A_140] {strides = array<i32>} : memref<128xf32, #tpu.memory_space<vmem>>, vector<16xf32>,
      %get3A_142 = vector.shape_cast %get3A_141 : vector<16xf32> to vector<16xf32>
      %get3A_143 = arith.constant 16 : index
      %get3A_144 = tpu.vector_load %arg12[%get3A_143] {strides = array<i32>} : memref<128xf32, #tpu.memory_space<vmem>>, vector<16xf32>,
      %get3A_145 = vector.shape_cast %get3A_144 : vector<16xf32> to vector<16xf32>
      %get3A_146 = arith.constant 32 : index
      %get3A_147 = tpu.vector_load %arg12[%get3A_146] {strides = array<i32>} : memref<128xf32, #tpu.memory_space<vmem>>, vector<16xf32>,
      %get3A_148 = vector.shape_cast %get3A_147 : vector<16xf32> to vector<16xf32>
      %get3A_149 = arith.constant 48 : index
      %get3A_150 = tpu.vector_load %arg12[%get3A_149] {strides = array<i32>} : memref<128xf32, #tpu.memory_space<vmem>>, vector<16xf32>,
      %get3A_151 = vector.shape_cast %get3A_150 : vector<16xf32> to vector<16xf32>
      %get3A_152 = arith.constant 64 : index
      %get3A_153 = tpu.vector_load %arg12[%get3A_152] {strides = array<i32>} : memref<128xf32, #tpu.memory_space<vmem>>, vector<16xf32>,
      %get3A_154 = vector.shape_cast %get3A_153 : vector<16xf32> to vector<16xf32>
      %get3A_155 = arith.constant 80 : index
      %get3A_156 = tpu.vector_load %arg12[%get3A_155] {strides = array<i32>} : memref<128xf32, #tpu.memory_space<vmem>>, vector<16xf32>,
      %get3A_157 = vector.shape_cast %get3A_156 : vector<16xf32> to vector<16xf32>
      %get3A_158 = arith.constant 96 : index
      %get3A_159 = tpu.vector_load %arg12[%get3A_158] {strides = array<i32>} : memref<128xf32, #tpu.memory_space<vmem>>, vector<16xf32>,
      %get3A_160 = vector.shape_cast %get3A_159 : vector<16xf32> to vector<16xf32>
      %get3A_161 = arith.constant 112 : index
      %get3A_162 = tpu.vector_load %arg12[%get3A_161] {strides = array<i32>} : memref<128xf32, #tpu.memory_space<vmem>>, vector<16xf32>,
      %get3A_163 = vector.shape_cast %get3A_162 : vector<16xf32> to vector<16xf32>
      %parallel_loop3A_164 = arith.constant 50 : i32
      %parallel_loop3A_165 = arith.constant 100 : i32
      %parallel_loop3A_166 = arith.constant 1 : i32
      %parallel_loop3A_167:8 = scf.for %parallel_loop3A_861 = %parallel_loop3A_164 to %parallel_loop3A_165 step %parallel_loop3A_166 iter_args(%parallel_loop3A_862 = %get3A_142, %parallel_loop3A_863 = %get3A_145, %parallel_loop3A_864 = %get3A_148, %parallel_loop3A_865 = %get3A_151, %parallel_loop3A_866 = %get3A_154, %parallel_loop3A_867 = %get3A_157, %parallel_loop3A_868 = %get3A_160, %parallel_loop3A_869 = %get3A_163) -> (vector<16xf32>, vector<16xf32>, vector<16xf32>, vector<16xf32>, vector<16xf32>, vector<16xf32>, vector<16xf32>, vector<16xf32>)  : i32 {
        %parallel_loop3A_870 = arith.index_cast %parallel_loop3A_861 : i32 to index
        %parallel_loop3A_871 = arith.constant 0 : index
        %parallel_loop3A_872 = tpu.vector_load %arg7[%parallel_loop3A_870, %parallel_loop3A_871] {strides = array<i32>} : memref<100x128xf32, #tpu.memory_space<vmem>>, vector<1x16xf32>,
        %parallel_loop3A_873 = vector.shape_cast %parallel_loop3A_872 : vector<1x16xf32> to vector<16xf32>
        %parallel_loop3A_874 = arith.addf %parallel_loop3A_862, %parallel_loop3A_873 : vector<16xf32>
        %parallel_loop3A_875 = arith.index_cast %parallel_loop3A_861 : i32 to index
        %parallel_loop3A_876 = arith.constant 16 : index
        %parallel_loop3A_877 = tpu.vector_load %arg7[%parallel_loop3A_875, %parallel_loop3A_876] {strides = array<i32>} : memref<100x128xf32, #tpu.memory_space<vmem>>, vector<1x16xf32>,
        %parallel_loop3A_878 = vector.shape_cast %parallel_loop3A_877 : vector<1x16xf32> to vector<16xf32>
        %parallel_loop3A_879 = arith.addf %parallel_loop3A_863, %parallel_loop3A_878 : vector<16xf32>
        %parallel_loop3A_880 = arith.index_cast %parallel_loop3A_861 : i32 to index
        %parallel_loop3A_881 = arith.constant 32 : index
        %parallel_loop3A_882 = tpu.vector_load %arg7[%parallel_loop3A_880, %parallel_loop3A_881] {strides = array<i32>} : memref<100x128xf32, #tpu.memory_space<vmem>>, vector<1x16xf32>,
        %parallel_loop3A_883 = vector.shape_cast %parallel_loop3A_882 : vector<1x16xf32> to vector<16xf32>
        %parallel_loop3A_884 = arith.addf %parallel_loop3A_864, %parallel_loop3A_883 : vector<16xf32>
        %parallel_loop3A_885 = arith.index_cast %parallel_loop3A_861 : i32 to index
        %parallel_loop3A_886 = arith.constant 48 : index
        %parallel_loop3A_887 = tpu.vector_load %arg7[%parallel_loop3A_885, %parallel_loop3A_886] {strides = array<i32>} : memref<100x128xf32, #tpu.memory_space<vmem>>, vector<1x16xf32>,
        %parallel_loop3A_888 = vector.shape_cast %parallel_loop3A_887 : vector<1x16xf32> to vector<16xf32>
        %parallel_loop3A_889 = arith.addf %parallel_loop3A_865, %parallel_loop3A_888 : vector<16xf32>
        %parallel_loop3A_890 = arith.index_cast %parallel_loop3A_861 : i32 to index
        %parallel_loop3A_891 = arith.constant 64 : index
        %parallel_loop3A_892 = tpu.vector_load %arg7[%parallel_loop3A_890, %parallel_loop3A_891] {strides = array<i32>} : memref<100x128xf32, #tpu.memory_space<vmem>>, vector<1x16xf32>,
        %parallel_loop3A_893 = vector.shape_cast %parallel_loop3A_892 : vector<1x16xf32> to vector<16xf32>
        %parallel_loop3A_894 = arith.addf %parallel_loop3A_866, %parallel_loop3A_893 : vector<16xf32>
        %parallel_loop3A_895 = arith.index_cast %parallel_loop3A_861 : i32 to index
        %parallel_loop3A_896 = arith.constant 80 : index
        %parallel_loop3A_897 = tpu.vector_load %arg7[%parallel_loop3A_895, %parallel_loop3A_896] {strides = array<i32>} : memref<100x128xf32, #tpu.memory_space<vmem>>, vector<1x16xf32>,
        %parallel_loop3A_898 = vector.shape_cast %parallel_loop3A_897 : vector<1x16xf32> to vector<16xf32>
        %parallel_loop3A_899 = arith.addf %parallel_loop3A_867, %parallel_loop3A_898 : vector<16xf32>
        %parallel_loop3A_900 = arith.index_cast %parallel_loop3A_861 : i32 to index
        %parallel_loop3A_901 = arith.constant 96 : index
        %parallel_loop3A_902 = tpu.vector_load %arg7[%parallel_loop3A_900, %parallel_loop3A_901] {strides = array<i32>} : memref<100x128xf32, #tpu.memory_space<vmem>>, vector<1x16xf32>,
        %parallel_loop3A_903 = vector.shape_cast %parallel_loop3A_902 : vector<1x16xf32> to vector<16xf32>
        %parallel_loop3A_904 = arith.addf %parallel_loop3A_868, %parallel_loop3A_903 : vector<16xf32>
        %parallel_loop3A_905 = arith.index_cast %parallel_loop3A_861 : i32 to index
        %parallel_loop3A_906 = arith.constant 112 : index
        %parallel_loop3A_907 = tpu.vector_load %arg7[%parallel_loop3A_905, %parallel_loop3A_906] {strides = array<i32>} : memref<100x128xf32, #tpu.memory_space<vmem>>, vector<1x16xf32>,
        %parallel_loop3A_908 = vector.shape_cast %parallel_loop3A_907 : vector<1x16xf32> to vector<16xf32>
        %parallel_loop3A_909 = arith.addf %parallel_loop3A_869, %parallel_loop3A_908 : vector<16xf32>
        scf.yield %parallel_loop3A_874, %parallel_loop3A_879, %parallel_loop3A_884, %parallel_loop3A_889, %parallel_loop3A_894, %parallel_loop3A_899, %parallel_loop3A_904, %parallel_loop3A_909 : vector<16xf32>, vector<16xf32>, vector<16xf32>, vector<16xf32>, vector<16xf32>, vector<16xf32>, vector<16xf32>, vector<16xf32>
      } {sc.loop_unroll_factor = 5 : i64, sc.parallel_access}
      %mul3A_168 = arith.constant 2 : i32
      %mul3A_169 = arith.muli %add3A_42, %mul3A_168 : i32
      %add3A_170 = arith.constant 1 : i32
      %add3A_171 = arith.addi %mul3A_169, %add3A_170 : i32
      %max3A_172 = arith.constant 0.000000e+00 : f32
      %max3A_173 = vector.broadcast %max3A_172 : f32 to vector<16xf32>
      %max3A_174 = arith.maximumf %parallel_loop3A_167#0, %max3A_173 : vector<16xf32>
      %swap3A_175 = arith.index_cast %add3A_171 : i32 to index
      %swap3A_176 = arith.constant 0 : index
      %swap3A_177 = tpu.vector_load %arg11[%swap3A_175, %swap3A_176] {strides = array<i32>} : memref<32x128xf32, #tpu.memory_space<vmem>>, vector<1x16xf32>,
      %swap3A_178 = vector.shape_cast %swap3A_177 : vector<1x16xf32> to vector<16xf32>
      %swap3A_179 = vector.shape_cast %max3A_174 : vector<16xf32> to vector<1x16xf32>
      tpu.vector_store %arg11[%swap3A_175, %swap3A_176], %swap3A_179 {strides = array<i32>} : memref<32x128xf32, #tpu.memory_space<vmem>>, vector<1x16xf32>,
      %max3A_180 = arith.constant 0.000000e+00 : f32
      %max3A_181 = vector.broadcast %max3A_180 : f32 to vector<16xf32>
      %max3A_182 = arith.maximumf %parallel_loop3A_167#1, %max3A_181 : vector<16xf32>
      %swap3A_183 = arith.index_cast %add3A_171 : i32 to index
      %swap3A_184 = arith.constant 16 : index
      %swap3A_185 = tpu.vector_load %arg11[%swap3A_183, %swap3A_184] {strides = array<i32>} : memref<32x128xf32, #tpu.memory_space<vmem>>, vector<1x16xf32>,
      %swap3A_186 = vector.shape_cast %swap3A_185 : vector<1x16xf32> to vector<16xf32>
      %swap3A_187 = vector.shape_cast %max3A_182 : vector<16xf32> to vector<1x16xf32>
      tpu.vector_store %arg11[%swap3A_183, %swap3A_184], %swap3A_187 {strides = array<i32>} : memref<32x128xf32, #tpu.memory_space<vmem>>, vector<1x16xf32>,
      %max3A_188 = arith.constant 0.000000e+00 : f32
      %max3A_189 = vector.broadcast %max3A_188 : f32 to vector<16xf32>
      %max3A_190 = arith.maximumf %parallel_loop3A_167#2, %max3A_189 : vector<16xf32>
      %swap3A_191 = arith.index_cast %add3A_171 : i32 to index
      %swap3A_192 = arith.constant 32 : index
      %swap3A_193 = tpu.vector_load %arg11[%swap3A_191, %swap3A_192] {strides = array<i32>} : memref<32x128xf32, #tpu.memory_space<vmem>>, vector<1x16xf32>,
      %swap3A_194 = vector.shape_cast %swap3A_193 : vector<1x16xf32> to vector<16xf32>
      %swap3A_195 = vector.shape_cast %max3A_190 : vector<16xf32> to vector<1x16xf32>
      tpu.vector_store %arg11[%swap3A_191, %swap3A_192], %swap3A_195 {strides = array<i32>} : memref<32x128xf32, #tpu.memory_space<vmem>>, vector<1x16xf32>,
      %max3A_196 = arith.constant 0.000000e+00 : f32
      %max3A_197 = vector.broadcast %max3A_196 : f32 to vector<16xf32>
      %max3A_198 = arith.maximumf %parallel_loop3A_167#3, %max3A_197 : vector<16xf32>
      %swap3A_199 = arith.index_cast %add3A_171 : i32 to index
      %swap3A_200 = arith.constant 48 : index
      %swap3A_201 = tpu.vector_load %arg11[%swap3A_199, %swap3A_200] {strides = array<i32>} : memref<32x128xf32, #tpu.memory_space<vmem>>, vector<1x16xf32>,
      %swap3A_202 = vector.shape_cast %swap3A_201 : vector<1x16xf32> to vector<16xf32>
      %swap3A_203 = vector.shape_cast %max3A_198 : vector<16xf32> to vector<1x16xf32>
      tpu.vector_store %arg11[%swap3A_199, %swap3A_200], %swap3A_203 {strides = array<i32>} : memref<32x128xf32, #tpu.memory_space<vmem>>, vector<1x16xf32>,
      %max3A_204 = arith.constant 0.000000e+00 : f32
      %max3A_205 = vector.broadcast %max3A_204 : f32 to vector<16xf32>
      %max3A_206 = arith.maximumf %parallel_loop3A_167#4, %max3A_205 : vector<16xf32>
      %swap3A_207 = arith.index_cast %add3A_171 : i32 to index
      %swap3A_208 = arith.constant 64 : index
      %swap3A_209 = tpu.vector_load %arg11[%swap3A_207, %swap3A_208] {strides = array<i32>} : memref<32x128xf32, #tpu.memory_space<vmem>>, vector<1x16xf32>,
      %swap3A_210 = vector.shape_cast %swap3A_209 : vector<1x16xf32> to vector<16xf32>
      %swap3A_211 = vector.shape_cast %max3A_206 : vector<16xf32> to vector<1x16xf32>
      tpu.vector_store %arg11[%swap3A_207, %swap3A_208], %swap3A_211 {strides = array<i32>} : memref<32x128xf32, #tpu.memory_space<vmem>>, vector<1x16xf32>,
      %max3A_212 = arith.constant 0.000000e+00 : f32
      %max3A_213 = vector.broadcast %max3A_212 : f32 to vector<16xf32>
      %max3A_214 = arith.maximumf %parallel_loop3A_167#5, %max3A_213 : vector<16xf32>
      %swap3A_215 = arith.index_cast %add3A_171 : i32 to index
      %swap3A_216 = arith.constant 80 : index
      %swap3A_217 = tpu.vector_load %arg11[%swap3A_215, %swap3A_216] {strides = array<i32>} : memref<32x128xf32, #tpu.memory_space<vmem>>, vector<1x16xf32>,
      %swap3A_218 = vector.shape_cast %swap3A_217 : vector<1x16xf32> to vector<16xf32>
      %swap3A_219 = vector.shape_cast %max3A_214 : vector<16xf32> to vector<1x16xf32>
      tpu.vector_store %arg11[%swap3A_215, %swap3A_216], %swap3A_219 {strides = array<i32>} : memref<32x128xf32, #tpu.memory_space<vmem>>, vector<1x16xf32>,
      %max3A_220 = arith.constant 0.000000e+00 : f32
      %max3A_221 = vector.broadcast %max3A_220 : f32 to vector<16xf32>
      %max3A_222 = arith.maximumf %parallel_loop3A_167#6, %max3A_221 : vector<16xf32>
      %swap3A_223 = arith.index_cast %add3A_171 : i32 to index
      %swap3A_224 = arith.constant 96 : index
      %swap3A_225 = tpu.vector_load %arg11[%swap3A_223, %swap3A_224] {strides = array<i32>} : memref<32x128xf32, #tpu.memory_space<vmem>>, vector<1x16xf32>,
      %swap3A_226 = vector.shape_cast %swap3A_225 : vector<1x16xf32> to vector<16xf32>
      %swap3A_227 = vector.shape_cast %max3A_222 : vector<16xf32> to vector<1x16xf32>
      tpu.vector_store %arg11[%swap3A_223, %swap3A_224], %swap3A_227 {strides = array<i32>} : memref<32x128xf32, #tpu.memory_space<vmem>>, vector<1x16xf32>,
      %max3A_228 = arith.constant 0.000000e+00 : f32
      %max3A_229 = vector.broadcast %max3A_228 : f32 to vector<16xf32>
      %max3A_230 = arith.maximumf %parallel_loop3A_167#7, %max3A_229 : vector<16xf32>
      %swap3A_231 = arith.index_cast %add3A_171 : i32 to index
      %swap3A_232 = arith.constant 112 : index
      %swap3A_233 = tpu.vector_load %arg11[%swap3A_231, %swap3A_232] {strides = array<i32>} : memref<32x128xf32, #tpu.memory_space<vmem>>, vector<1x16xf32>,
      %swap3A_234 = vector.shape_cast %swap3A_233 : vector<1x16xf32> to vector<16xf32>
      %swap3A_235 = vector.shape_cast %max3A_230 : vector<16xf32> to vector<1x16xf32>
      tpu.vector_store %arg11[%swap3A_231, %swap3A_232], %swap3A_235 {strides = array<i32>} : memref<32x128xf32, #tpu.memory_space<vmem>>, vector<1x16xf32>,
      %add3A_236 = arith.constant 4 : i32
      %add3A_237 = arith.addi %add3A_42, %add3A_236 : i32
      %lt3A = arith.constant 16 : i32
      %lt3A_238 = arith.cmpi slt, %add3A_237, %lt3A : i32
      %convert_element_type3A = arith.extui %lt3A_238 : i1 to i32
      %cond3A = arith.constant 0 : i32
      %cond3A_239 = arith.cmpi ne, %convert_element_type3A, %cond3A : i32
      scf.if %cond3A_239 {
        %add3A_861 = arith.constant 4 : i32
        %add3A_862 = arith.addi %add3A_42, %add3A_861 : i32
        %dma_start3A_863 = arith.constant 0 : i32
        %dma_start3A_864 = tpu.memref_slice %arg6[%add3A_862, %dma_start3A_863] : memref<16x100xi32, #tpu.memory_space<vmem>> -> memref<1x100xi32, #tpu.memory_space<vmem>>
        %dma_start3A_865 = tpu.memref_squeeze %dma_start3A_864 : memref<1x100xi32, #tpu.memory_space<vmem>> -> memref<100xi32, #tpu.memory_space<vmem>>
        %dma_start3A_866 = arith.constant 0 : i32
        %dma_start3A_867 = arith.constant 0 : i32
        %dma_start3A_868 = tpu.memref_slice %arg3[%dma_start3A_866, %dma_start3A_867] : memref<100000x128xf32, #tpu.memory_space<hbm>> -> memref<100000x128xf32, #tpu.memory_space<hbm>>
        tpu.enqueue_indirect_dma source(%dma_start3A_868 : memref<100000x128xf32, #tpu.memory_space<hbm>>) target(%arg7 : memref<100x128xf32, #tpu.memory_space<vmem>>) offsets(%dma_start3A_865 : memref<100xi32, #tpu.memory_space<vmem>>) semaphore(%arg13 : memref<!tpu.dma_semaphore, #tpu.memory_space<semaphore_mem>>)
      } else {
      }
      %add3A_240 = arith.constant 1 : i32
      %add3A_241 = arith.addi %add3A_40, %add3A_240 : i32
      %dma_wait3A_242 = arith.constant 0 : i32
      %dma_wait3A_243 = tpu.memref_slice %arg6[%add3A_241, %dma_wait3A_242] : memref<16x100xi32, #tpu.memory_space<vmem>> -> memref<1x100xi32, #tpu.memory_space<vmem>>
      %dma_wait3A_244 = tpu.memref_squeeze %dma_wait3A_243 : memref<1x100xi32, #tpu.memory_space<vmem>> -> memref<100xi32, #tpu.memory_space<vmem>>
      %dma_wait3A_245 = arith.constant 0 : i32
      %dma_wait3A_246 = arith.constant 0 : i32
      %dma_wait3A_247 = tpu.memref_slice %arg3[%dma_wait3A_245, %dma_wait3A_246] : memref<100000x128xf32, #tpu.memory_space<hbm>> -> memref<100000x128xf32, #tpu.memory_space<hbm>>
      tpu.wait_indirect_dma semaphore(%arg14 : memref<!tpu.dma_semaphore, #tpu.memory_space<semaphore_mem>>) src(%dma_wait3A_247 : memref<100000x128xf32, #tpu.memory_space<hbm>>) dst(%arg8 : memref<100x128xf32, #tpu.memory_space<vmem>>)
      %get3A_248 = arith.constant 0 : index
      %get3A_249 = tpu.vector_load %arg12[%get3A_248] {strides = array<i32>} : memref<128xf32, #tpu.memory_space<vmem>>, vector<16xf32>,
      %get3A_250 = vector.shape_cast %get3A_249 : vector<16xf32> to vector<16xf32>
      %get3A_251 = arith.constant 16 : index
      %get3A_252 = tpu.vector_load %arg12[%get3A_251] {strides = array<i32>} : memref<128xf32, #tpu.memory_space<vmem>>, vector<16xf32>,
      %get3A_253 = vector.shape_cast %get3A_252 : vector<16xf32> to vector<16xf32>
      %get3A_254 = arith.constant 32 : index
      %get3A_255 = tpu.vector_load %arg12[%get3A_254] {strides = array<i32>} : memref<128xf32, #tpu.memory_space<vmem>>, vector<16xf32>,
      %get3A_256 = vector.shape_cast %get3A_255 : vector<16xf32> to vector<16xf32>
      %get3A_257 = arith.constant 48 : index
      %get3A_258 = tpu.vector_load %arg12[%get3A_257] {strides = array<i32>} : memref<128xf32, #tpu.memory_space<vmem>>, vector<16xf32>,
      %get3A_259 = vector.shape_cast %get3A_258 : vector<16xf32> to vector<16xf32>
      %get3A_260 = arith.constant 64 : index
      %get3A_261 = tpu.vector_load %arg12[%get3A_260] {strides = array<i32>} : memref<128xf32, #tpu.memory_space<vmem>>, vector<16xf32>,
      %get3A_262 = vector.shape_cast %get3A_261 : vector<16xf32> to vector<16xf32>
      %get3A_263 = arith.constant 80 : index
      %get3A_264 = tpu.vector_load %arg12[%get3A_263] {strides = array<i32>} : memref<128xf32, #tpu.memory_space<vmem>>, vector<16xf32>,
      %get3A_265 = vector.shape_cast %get3A_264 : vector<16xf32> to vector<16xf32>
      %get3A_266 = arith.constant 96 : index
      %get3A_267 = tpu.vector_load %arg12[%get3A_266] {strides = array<i32>} : memref<128xf32, #tpu.memory_space<vmem>>, vector<16xf32>,
      %get3A_268 = vector.shape_cast %get3A_267 : vector<16xf32> to vector<16xf32>
      %get3A_269 = arith.constant 112 : index
      %get3A_270 = tpu.vector_load %arg12[%get3A_269] {strides = array<i32>} : memref<128xf32, #tpu.memory_space<vmem>>, vector<16xf32>,
      %get3A_271 = vector.shape_cast %get3A_270 : vector<16xf32> to vector<16xf32>
      %parallel_loop3A_272 = arith.constant 0 : i32
      %parallel_loop3A_273 = arith.constant 50 : i32
      %parallel_loop3A_274 = arith.constant 1 : i32
      %parallel_loop3A_275:8 = scf.for %parallel_loop3A_861 = %parallel_loop3A_272 to %parallel_loop3A_273 step %parallel_loop3A_274 iter_args(%parallel_loop3A_862 = %get3A_250, %parallel_loop3A_863 = %get3A_253, %parallel_loop3A_864 = %get3A_256, %parallel_loop3A_865 = %get3A_259, %parallel_loop3A_866 = %get3A_262, %parallel_loop3A_867 = %get3A_265, %parallel_loop3A_868 = %get3A_268, %parallel_loop3A_869 = %get3A_271) -> (vector<16xf32>, vector<16xf32>, vector<16xf32>, vector<16xf32>, vector<16xf32>, vector<16xf32>, vector<16xf32>, vector<16xf32>)  : i32 {
        %parallel_loop3A_870 = arith.index_cast %parallel_loop3A_861 : i32 to index
        %parallel_loop3A_871 = arith.constant 0 : index
        %parallel_loop3A_872 = tpu.vector_load %arg8[%parallel_loop3A_870, %parallel_loop3A_871] {strides = array<i32>} : memref<100x128xf32, #tpu.memory_space<vmem>>, vector<1x16xf32>,
        %parallel_loop3A_873 = vector.shape_cast %parallel_loop3A_872 : vector<1x16xf32> to vector<16xf32>
        %parallel_loop3A_874 = arith.addf %parallel_loop3A_862, %parallel_loop3A_873 : vector<16xf32>
        %parallel_loop3A_875 = arith.index_cast %parallel_loop3A_861 : i32 to index
        %parallel_loop3A_876 = arith.constant 16 : index
        %parallel_loop3A_877 = tpu.vector_load %arg8[%parallel_loop3A_875, %parallel_loop3A_876] {strides = array<i32>} : memref<100x128xf32, #tpu.memory_space<vmem>>, vector<1x16xf32>,
        %parallel_loop3A_878 = vector.shape_cast %parallel_loop3A_877 : vector<1x16xf32> to vector<16xf32>
        %parallel_loop3A_879 = arith.addf %parallel_loop3A_863, %parallel_loop3A_878 : vector<16xf32>
        %parallel_loop3A_880 = arith.index_cast %parallel_loop3A_861 : i32 to index
        %parallel_loop3A_881 = arith.constant 32 : index
        %parallel_loop3A_882 = tpu.vector_load %arg8[%parallel_loop3A_880, %parallel_loop3A_881] {strides = array<i32>} : memref<100x128xf32, #tpu.memory_space<vmem>>, vector<1x16xf32>,
        %parallel_loop3A_883 = vector.shape_cast %parallel_loop3A_882 : vector<1x16xf32> to vector<16xf32>
        %parallel_loop3A_884 = arith.addf %parallel_loop3A_864, %parallel_loop3A_883 : vector<16xf32>
        %parallel_loop3A_885 = arith.index_cast %parallel_loop3A_861 : i32 to index
        %parallel_loop3A_886 = arith.constant 48 : index
        %parallel_loop3A_887 = tpu.vector_load %arg8[%parallel_loop3A_885, %parallel_loop3A_886] {strides = array<i32>} : memref<100x128xf32, #tpu.memory_space<vmem>>, vector<1x16xf32>,
        %parallel_loop3A_888 = vector.shape_cast %parallel_loop3A_887 : vector<1x16xf32> to vector<16xf32>
        %parallel_loop3A_889 = arith.addf %parallel_loop3A_865, %parallel_loop3A_888 : vector<16xf32>
        %parallel_loop3A_890 = arith.index_cast %parallel_loop3A_861 : i32 to index
        %parallel_loop3A_891 = arith.constant 64 : index
        %parallel_loop3A_892 = tpu.vector_load %arg8[%parallel_loop3A_890, %parallel_loop3A_891] {strides = array<i32>} : memref<100x128xf32, #tpu.memory_space<vmem>>, vector<1x16xf32>,
        %parallel_loop3A_893 = vector.shape_cast %parallel_loop3A_892 : vector<1x16xf32> to vector<16xf32>
        %parallel_loop3A_894 = arith.addf %parallel_loop3A_866, %parallel_loop3A_893 : vector<16xf32>
        %parallel_loop3A_895 = arith.index_cast %parallel_loop3A_861 : i32 to index
        %parallel_loop3A_896 = arith.constant 80 : index
        %parallel_loop3A_897 = tpu.vector_load %arg8[%parallel_loop3A_895, %parallel_loop3A_896] {strides = array<i32>} : memref<100x128xf32, #tpu.memory_space<vmem>>, vector<1x16xf32>,
        %parallel_loop3A_898 = vector.shape_cast %parallel_loop3A_897 : vector<1x16xf32> to vector<16xf32>
        %parallel_loop3A_899 = arith.addf %parallel_loop3A_867, %parallel_loop3A_898 : vector<16xf32>
        %parallel_loop3A_900 = arith.index_cast %parallel_loop3A_861 : i32 to index
        %parallel_loop3A_901 = arith.constant 96 : index
        %parallel_loop3A_902 = tpu.vector_load %arg8[%parallel_loop3A_900, %parallel_loop3A_901] {strides = array<i32>} : memref<100x128xf32, #tpu.memory_space<vmem>>, vector<1x16xf32>,
        %parallel_loop3A_903 = vector.shape_cast %parallel_loop3A_902 : vector<1x16xf32> to vector<16xf32>
        %parallel_loop3A_904 = arith.addf %parallel_loop3A_868, %parallel_loop3A_903 : vector<16xf32>
        %parallel_loop3A_905 = arith.index_cast %parallel_loop3A_861 : i32 to index
        %parallel_loop3A_906 = arith.constant 112 : index
        %parallel_loop3A_907 = tpu.vector_load %arg8[%parallel_loop3A_905, %parallel_loop3A_906] {strides = array<i32>} : memref<100x128xf32, #tpu.memory_space<vmem>>, vector<1x16xf32>,
        %parallel_loop3A_908 = vector.shape_cast %parallel_loop3A_907 : vector<1x16xf32> to vector<16xf32>
        %parallel_loop3A_909 = arith.addf %parallel_loop3A_869, %parallel_loop3A_908 : vector<16xf32>
        scf.yield %parallel_loop3A_874, %parallel_loop3A_879, %parallel_loop3A_884, %parallel_loop3A_889, %parallel_loop3A_894, %parallel_loop3A_899, %parallel_loop3A_904, %parallel_loop3A_909 : vector<16xf32>, vector<16xf32>, vector<16xf32>, vector<16xf32>, vector<16xf32>, vector<16xf32>, vector<16xf32>, vector<16xf32>
      } {sc.loop_unroll_factor = 5 : i64, sc.parallel_access}
      %mul3A_276 = arith.constant 2 : i32
      %mul3A_277 = arith.muli %add3A_241, %mul3A_276 : i32
      %add3A_278 = arith.constant 0 : i32
      %add3A_279 = arith.addi %mul3A_277, %add3A_278 : i32
      %max3A_280 = arith.constant 0.000000e+00 : f32
      %max3A_281 = vector.broadcast %max3A_280 : f32 to vector<16xf32>
      %max3A_282 = arith.maximumf %parallel_loop3A_275#0, %max3A_281 : vector<16xf32>
      %swap3A_283 = arith.index_cast %add3A_279 : i32 to index
      %swap3A_284 = arith.constant 0 : index
      %swap3A_285 = tpu.vector_load %arg11[%swap3A_283, %swap3A_284] {strides = array<i32>} : memref<32x128xf32, #tpu.memory_space<vmem>>, vector<1x16xf32>,
      %swap3A_286 = vector.shape_cast %swap3A_285 : vector<1x16xf32> to vector<16xf32>
      %swap3A_287 = vector.shape_cast %max3A_282 : vector<16xf32> to vector<1x16xf32>
      tpu.vector_store %arg11[%swap3A_283, %swap3A_284], %swap3A_287 {strides = array<i32>} : memref<32x128xf32, #tpu.memory_space<vmem>>, vector<1x16xf32>,
      %max3A_288 = arith.constant 0.000000e+00 : f32
      %max3A_289 = vector.broadcast %max3A_288 : f32 to vector<16xf32>
      %max3A_290 = arith.maximumf %parallel_loop3A_275#1, %max3A_289 : vector<16xf32>
      %swap3A_291 = arith.index_cast %add3A_279 : i32 to index
      %swap3A_292 = arith.constant 16 : index
      %swap3A_293 = tpu.vector_load %arg11[%swap3A_291, %swap3A_292] {strides = array<i32>} : memref<32x128xf32, #tpu.memory_space<vmem>>, vector<1x16xf32>,
      %swap3A_294 = vector.shape_cast %swap3A_293 : vector<1x16xf32> to vector<16xf32>
      %swap3A_295 = vector.shape_cast %max3A_290 : vector<16xf32> to vector<1x16xf32>
      tpu.vector_store %arg11[%swap3A_291, %swap3A_292], %swap3A_295 {strides = array<i32>} : memref<32x128xf32, #tpu.memory_space<vmem>>, vector<1x16xf32>,
      %max3A_296 = arith.constant 0.000000e+00 : f32
      %max3A_297 = vector.broadcast %max3A_296 : f32 to vector<16xf32>
      %max3A_298 = arith.maximumf %parallel_loop3A_275#2, %max3A_297 : vector<16xf32>
      %swap3A_299 = arith.index_cast %add3A_279 : i32 to index
      %swap3A_300 = arith.constant 32 : index
      %swap3A_301 = tpu.vector_load %arg11[%swap3A_299, %swap3A_300] {strides = array<i32>} : memref<32x128xf32, #tpu.memory_space<vmem>>, vector<1x16xf32>,
      %swap3A_302 = vector.shape_cast %swap3A_301 : vector<1x16xf32> to vector<16xf32>
      %swap3A_303 = vector.shape_cast %max3A_298 : vector<16xf32> to vector<1x16xf32>
      tpu.vector_store %arg11[%swap3A_299, %swap3A_300], %swap3A_303 {strides = array<i32>} : memref<32x128xf32, #tpu.memory_space<vmem>>, vector<1x16xf32>,
      %max3A_304 = arith.constant 0.000000e+00 : f32
      %max3A_305 = vector.broadcast %max3A_304 : f32 to vector<16xf32>
      %max3A_306 = arith.maximumf %parallel_loop3A_275#3, %max3A_305 : vector<16xf32>
      %swap3A_307 = arith.index_cast %add3A_279 : i32 to index
      %swap3A_308 = arith.constant 48 : index
      %swap3A_309 = tpu.vector_load %arg11[%swap3A_307, %swap3A_308] {strides = array<i32>} : memref<32x128xf32, #tpu.memory_space<vmem>>, vector<1x16xf32>,
      %swap3A_310 = vector.shape_cast %swap3A_309 : vector<1x16xf32> to vector<16xf32>
      %swap3A_311 = vector.shape_cast %max3A_306 : vector<16xf32> to vector<1x16xf32>
      tpu.vector_store %arg11[%swap3A_307, %swap3A_308], %swap3A_311 {strides = array<i32>} : memref<32x128xf32, #tpu.memory_space<vmem>>, vector<1x16xf32>,
      %max3A_312 = arith.constant 0.000000e+00 : f32
      %max3A_313 = vector.broadcast %max3A_312 : f32 to vector<16xf32>
      %max3A_314 = arith.maximumf %parallel_loop3A_275#4, %max3A_313 : vector<16xf32>
      %swap3A_315 = arith.index_cast %add3A_279 : i32 to index
      %swap3A_316 = arith.constant 64 : index
      %swap3A_317 = tpu.vector_load %arg11[%swap3A_315, %swap3A_316] {strides = array<i32>} : memref<32x128xf32, #tpu.memory_space<vmem>>, vector<1x16xf32>,
      %swap3A_318 = vector.shape_cast %swap3A_317 : vector<1x16xf32> to vector<16xf32>
      %swap3A_319 = vector.shape_cast %max3A_314 : vector<16xf32> to vector<1x16xf32>
      tpu.vector_store %arg11[%swap3A_315, %swap3A_316], %swap3A_319 {strides = array<i32>} : memref<32x128xf32, #tpu.memory_space<vmem>>, vector<1x16xf32>,
      %max3A_320 = arith.constant 0.000000e+00 : f32
      %max3A_321 = vector.broadcast %max3A_320 : f32 to vector<16xf32>
      %max3A_322 = arith.maximumf %parallel_loop3A_275#5, %max3A_321 : vector<16xf32>
      %swap3A_323 = arith.index_cast %add3A_279 : i32 to index
      %swap3A_324 = arith.constant 80 : index
      %swap3A_325 = tpu.vector_load %arg11[%swap3A_323, %swap3A_324] {strides = array<i32>} : memref<32x128xf32, #tpu.memory_space<vmem>>, vector<1x16xf32>,
      %swap3A_326 = vector.shape_cast %swap3A_325 : vector<1x16xf32> to vector<16xf32>
      %swap3A_327 = vector.shape_cast %max3A_322 : vector<16xf32> to vector<1x16xf32>
      tpu.vector_store %arg11[%swap3A_323, %swap3A_324], %swap3A_327 {strides = array<i32>} : memref<32x128xf32, #tpu.memory_space<vmem>>, vector<1x16xf32>,
      %max3A_328 = arith.constant 0.000000e+00 : f32
      %max3A_329 = vector.broadcast %max3A_328 : f32 to vector<16xf32>
      %max3A_330 = arith.maximumf %parallel_loop3A_275#6, %max3A_329 : vector<16xf32>
      %swap3A_331 = arith.index_cast %add3A_279 : i32 to index
      %swap3A_332 = arith.constant 96 : index
      %swap3A_333 = tpu.vector_load %arg11[%swap3A_331, %swap3A_332] {strides = array<i32>} : memref<32x128xf32, #tpu.memory_space<vmem>>, vector<1x16xf32>,
      %swap3A_334 = vector.shape_cast %swap3A_333 : vector<1x16xf32> to vector<16xf32>
      %swap3A_335 = vector.shape_cast %max3A_330 : vector<16xf32> to vector<1x16xf32>
      tpu.vector_store %arg11[%swap3A_331, %swap3A_332], %swap3A_335 {strides = array<i32>} : memref<32x128xf32, #tpu.memory_space<vmem>>, vector<1x16xf32>,
      %max3A_336 = arith.constant 0.000000e+00 : f32
      %max3A_337 = vector.broadcast %max3A_336 : f32 to vector<16xf32>
      %max3A_338 = arith.maximumf %parallel_loop3A_275#7, %max3A_337 : vector<16xf32>
      %swap3A_339 = arith.index_cast %add3A_279 : i32 to index
      %swap3A_340 = arith.constant 112 : index
      %swap3A_341 = tpu.vector_load %arg11[%swap3A_339, %swap3A_340] {strides = array<i32>} : memref<32x128xf32, #tpu.memory_space<vmem>>, vector<1x16xf32>,
      %swap3A_342 = vector.shape_cast %swap3A_341 : vector<1x16xf32> to vector<16xf32>
      %swap3A_343 = vector.shape_cast %max3A_338 : vector<16xf32> to vector<1x16xf32>
      tpu.vector_store %arg11[%swap3A_339, %swap3A_340], %swap3A_343 {strides = array<i32>} : memref<32x128xf32, #tpu.memory_space<vmem>>, vector<1x16xf32>,
      %get3A_344 = arith.constant 0 : index
      %get3A_345 = tpu.vector_load %arg12[%get3A_344] {strides = array<i32>} : memref<128xf32, #tpu.memory_space<vmem>>, vector<16xf32>,
      %get3A_346 = vector.shape_cast %get3A_345 : vector<16xf32> to vector<16xf32>
      %get3A_347 = arith.constant 16 : index
      %get3A_348 = tpu.vector_load %arg12[%get3A_347] {strides = array<i32>} : memref<128xf32, #tpu.memory_space<vmem>>, vector<16xf32>,
      %get3A_349 = vector.shape_cast %get3A_348 : vector<16xf32> to vector<16xf32>
      %get3A_350 = arith.constant 32 : index
      %get3A_351 = tpu.vector_load %arg12[%get3A_350] {strides = array<i32>} : memref<128xf32, #tpu.memory_space<vmem>>, vector<16xf32>,
      %get3A_352 = vector.shape_cast %get3A_351 : vector<16xf32> to vector<16xf32>
      %get3A_353 = arith.constant 48 : index
      %get3A_354 = tpu.vector_load %arg12[%get3A_353] {strides = array<i32>} : memref<128xf32, #tpu.memory_space<vmem>>, vector<16xf32>,
      %get3A_355 = vector.shape_cast %get3A_354 : vector<16xf32> to vector<16xf32>
      %get3A_356 = arith.constant 64 : index
      %get3A_357 = tpu.vector_load %arg12[%get3A_356] {strides = array<i32>} : memref<128xf32, #tpu.memory_space<vmem>>, vector<16xf32>,
      %get3A_358 = vector.shape_cast %get3A_357 : vector<16xf32> to vector<16xf32>
      %get3A_359 = arith.constant 80 : index
      %get3A_360 = tpu.vector_load %arg12[%get3A_359] {strides = array<i32>} : memref<128xf32, #tpu.memory_space<vmem>>, vector<16xf32>,
      %get3A_361 = vector.shape_cast %get3A_360 : vector<16xf32> to vector<16xf32>
      %get3A_362 = arith.constant 96 : index
      %get3A_363 = tpu.vector_load %arg12[%get3A_362] {strides = array<i32>} : memref<128xf32, #tpu.memory_space<vmem>>, vector<16xf32>,
      %get3A_364 = vector.shape_cast %get3A_363 : vector<16xf32> to vector<16xf32>
      %get3A_365 = arith.constant 112 : index
      %get3A_366 = tpu.vector_load %arg12[%get3A_365] {strides = array<i32>} : memref<128xf32, #tpu.memory_space<vmem>>, vector<16xf32>,
      %get3A_367 = vector.shape_cast %get3A_366 : vector<16xf32> to vector<16xf32>
      %parallel_loop3A_368 = arith.constant 50 : i32
      %parallel_loop3A_369 = arith.constant 100 : i32
      %parallel_loop3A_370 = arith.constant 1 : i32
      %parallel_loop3A_371:8 = scf.for %parallel_loop3A_861 = %parallel_loop3A_368 to %parallel_loop3A_369 step %parallel_loop3A_370 iter_args(%parallel_loop3A_862 = %get3A_346, %parallel_loop3A_863 = %get3A_349, %parallel_loop3A_864 = %get3A_352, %parallel_loop3A_865 = %get3A_355, %parallel_loop3A_866 = %get3A_358, %parallel_loop3A_867 = %get3A_361, %parallel_loop3A_868 = %get3A_364, %parallel_loop3A_869 = %get3A_367) -> (vector<16xf32>, vector<16xf32>, vector<16xf32>, vector<16xf32>, vector<16xf32>, vector<16xf32>, vector<16xf32>, vector<16xf32>)  : i32 {
        %parallel_loop3A_870 = arith.index_cast %parallel_loop3A_861 : i32 to index
        %parallel_loop3A_871 = arith.constant 0 : index
        %parallel_loop3A_872 = tpu.vector_load %arg8[%parallel_loop3A_870, %parallel_loop3A_871] {strides = array<i32>} : memref<100x128xf32, #tpu.memory_space<vmem>>, vector<1x16xf32>,
        %parallel_loop3A_873 = vector.shape_cast %parallel_loop3A_872 : vector<1x16xf32> to vector<16xf32>
        %parallel_loop3A_874 = arith.addf %parallel_loop3A_862, %parallel_loop3A_873 : vector<16xf32>
        %parallel_loop3A_875 = arith.index_cast %parallel_loop3A_861 : i32 to index
        %parallel_loop3A_876 = arith.constant 16 : index
        %parallel_loop3A_877 = tpu.vector_load %arg8[%parallel_loop3A_875, %parallel_loop3A_876] {strides = array<i32>} : memref<100x128xf32, #tpu.memory_space<vmem>>, vector<1x16xf32>,
        %parallel_loop3A_878 = vector.shape_cast %parallel_loop3A_877 : vector<1x16xf32> to vector<16xf32>
        %parallel_loop3A_879 = arith.addf %parallel_loop3A_863, %parallel_loop3A_878 : vector<16xf32>
        %parallel_loop3A_880 = arith.index_cast %parallel_loop3A_861 : i32 to index
        %parallel_loop3A_881 = arith.constant 32 : index
        %parallel_loop3A_882 = tpu.vector_load %arg8[%parallel_loop3A_880, %parallel_loop3A_881] {strides = array<i32>} : memref<100x128xf32, #tpu.memory_space<vmem>>, vector<1x16xf32>,
        %parallel_loop3A_883 = vector.shape_cast %parallel_loop3A_882 : vector<1x16xf32> to vector<16xf32>
        %parallel_loop3A_884 = arith.addf %parallel_loop3A_864, %parallel_loop3A_883 : vector<16xf32>
        %parallel_loop3A_885 = arith.index_cast %parallel_loop3A_861 : i32 to index
        %parallel_loop3A_886 = arith.constant 48 : index
        %parallel_loop3A_887 = tpu.vector_load %arg8[%parallel_loop3A_885, %parallel_loop3A_886] {strides = array<i32>} : memref<100x128xf32, #tpu.memory_space<vmem>>, vector<1x16xf32>,
        %parallel_loop3A_888 = vector.shape_cast %parallel_loop3A_887 : vector<1x16xf32> to vector<16xf32>
        %parallel_loop3A_889 = arith.addf %parallel_loop3A_865, %parallel_loop3A_888 : vector<16xf32>
        %parallel_loop3A_890 = arith.index_cast %parallel_loop3A_861 : i32 to index
        %parallel_loop3A_891 = arith.constant 64 : index
        %parallel_loop3A_892 = tpu.vector_load %arg8[%parallel_loop3A_890, %parallel_loop3A_891] {strides = array<i32>} : memref<100x128xf32, #tpu.memory_space<vmem>>, vector<1x16xf32>,
        %parallel_loop3A_893 = vector.shape_cast %parallel_loop3A_892 : vector<1x16xf32> to vector<16xf32>
        %parallel_loop3A_894 = arith.addf %parallel_loop3A_866, %parallel_loop3A_893 : vector<16xf32>
        %parallel_loop3A_895 = arith.index_cast %parallel_loop3A_861 : i32 to index
        %parallel_loop3A_896 = arith.constant 80 : index
        %parallel_loop3A_897 = tpu.vector_load %arg8[%parallel_loop3A_895, %parallel_loop3A_896] {strides = array<i32>} : memref<100x128xf32, #tpu.memory_space<vmem>>, vector<1x16xf32>,
        %parallel_loop3A_898 = vector.shape_cast %parallel_loop3A_897 : vector<1x16xf32> to vector<16xf32>
        %parallel_loop3A_899 = arith.addf %parallel_loop3A_867, %parallel_loop3A_898 : vector<16xf32>
        %parallel_loop3A_900 = arith.index_cast %parallel_loop3A_861 : i32 to index
        %parallel_loop3A_901 = arith.constant 96 : index
        %parallel_loop3A_902 = tpu.vector_load %arg8[%parallel_loop3A_900, %parallel_loop3A_901] {strides = array<i32>} : memref<100x128xf32, #tpu.memory_space<vmem>>, vector<1x16xf32>,
        %parallel_loop3A_903 = vector.shape_cast %parallel_loop3A_902 : vector<1x16xf32> to vector<16xf32>
        %parallel_loop3A_904 = arith.addf %parallel_loop3A_868, %parallel_loop3A_903 : vector<16xf32>
        %parallel_loop3A_905 = arith.index_cast %parallel_loop3A_861 : i32 to index
        %parallel_loop3A_906 = arith.constant 112 : index
        %parallel_loop3A_907 = tpu.vector_load %arg8[%parallel_loop3A_905, %parallel_loop3A_906] {strides = array<i32>} : memref<100x128xf32, #tpu.memory_space<vmem>>, vector<1x16xf32>,
        %parallel_loop3A_908 = vector.shape_cast %parallel_loop3A_907 : vector<1x16xf32> to vector<16xf32>
        %parallel_loop3A_909 = arith.addf %parallel_loop3A_869, %parallel_loop3A_908 : vector<16xf32>
        scf.yield %parallel_loop3A_874, %parallel_loop3A_879, %parallel_loop3A_884, %parallel_loop3A_889, %parallel_loop3A_894, %parallel_loop3A_899, %parallel_loop3A_904, %parallel_loop3A_909 : vector<16xf32>, vector<16xf32>, vector<16xf32>, vector<16xf32>, vector<16xf32>, vector<16xf32>, vector<16xf32>, vector<16xf32>
      } {sc.loop_unroll_factor = 5 : i64, sc.parallel_access}
      %mul3A_372 = arith.constant 2 : i32
      %mul3A_373 = arith.muli %add3A_241, %mul3A_372 : i32
      %add3A_374 = arith.constant 1 : i32
      %add3A_375 = arith.addi %mul3A_373, %add3A_374 : i32
      %max3A_376 = arith.constant 0.000000e+00 : f32
      %max3A_377 = vector.broadcast %max3A_376 : f32 to vector<16xf32>
      %max3A_378 = arith.maximumf %parallel_loop3A_371#0, %max3A_377 : vector<16xf32>
      %swap3A_379 = arith.index_cast %add3A_375 : i32 to index
      %swap3A_380 = arith.constant 0 : index
      %swap3A_381 = tpu.vector_load %arg11[%swap3A_379, %swap3A_380] {strides = array<i32>} : memref<32x128xf32, #tpu.memory_space<vmem>>, vector<1x16xf32>,
      %swap3A_382 = vector.shape_cast %swap3A_381 : vector<1x16xf32> to vector<16xf32>
      %swap3A_383 = vector.shape_cast %max3A_378 : vector<16xf32> to vector<1x16xf32>
      tpu.vector_store %arg11[%swap3A_379, %swap3A_380], %swap3A_383 {strides = array<i32>} : memref<32x128xf32, #tpu.memory_space<vmem>>, vector<1x16xf32>,
      %max3A_384 = arith.constant 0.000000e+00 : f32
      %max3A_385 = vector.broadcast %max3A_384 : f32 to vector<16xf32>
      %max3A_386 = arith.maximumf %parallel_loop3A_371#1, %max3A_385 : vector<16xf32>
      %swap3A_387 = arith.index_cast %add3A_375 : i32 to index
      %swap3A_388 = arith.constant 16 : index
      %swap3A_389 = tpu.vector_load %arg11[%swap3A_387, %swap3A_388] {strides = array<i32>} : memref<32x128xf32, #tpu.memory_space<vmem>>, vector<1x16xf32>,
      %swap3A_390 = vector.shape_cast %swap3A_389 : vector<1x16xf32> to vector<16xf32>
      %swap3A_391 = vector.shape_cast %max3A_386 : vector<16xf32> to vector<1x16xf32>
      tpu.vector_store %arg11[%swap3A_387, %swap3A_388], %swap3A_391 {strides = array<i32>} : memref<32x128xf32, #tpu.memory_space<vmem>>, vector<1x16xf32>,
      %max3A_392 = arith.constant 0.000000e+00 : f32
      %max3A_393 = vector.broadcast %max3A_392 : f32 to vector<16xf32>
      %max3A_394 = arith.maximumf %parallel_loop3A_371#2, %max3A_393 : vector<16xf32>
      %swap3A_395 = arith.index_cast %add3A_375 : i32 to index
      %swap3A_396 = arith.constant 32 : index
      %swap3A_397 = tpu.vector_load %arg11[%swap3A_395, %swap3A_396] {strides = array<i32>} : memref<32x128xf32, #tpu.memory_space<vmem>>, vector<1x16xf32>,
      %swap3A_398 = vector.shape_cast %swap3A_397 : vector<1x16xf32> to vector<16xf32>
      %swap3A_399 = vector.shape_cast %max3A_394 : vector<16xf32> to vector<1x16xf32>
      tpu.vector_store %arg11[%swap3A_395, %swap3A_396], %swap3A_399 {strides = array<i32>} : memref<32x128xf32, #tpu.memory_space<vmem>>, vector<1x16xf32>,
      %max3A_400 = arith.constant 0.000000e+00 : f32
      %max3A_401 = vector.broadcast %max3A_400 : f32 to vector<16xf32>
      %max3A_402 = arith.maximumf %parallel_loop3A_371#3, %max3A_401 : vector<16xf32>
      %swap3A_403 = arith.index_cast %add3A_375 : i32 to index
      %swap3A_404 = arith.constant 48 : index
      %swap3A_405 = tpu.vector_load %arg11[%swap3A_403, %swap3A_404] {strides = array<i32>} : memref<32x128xf32, #tpu.memory_space<vmem>>, vector<1x16xf32>,
      %swap3A_406 = vector.shape_cast %swap3A_405 : vector<1x16xf32> to vector<16xf32>
      %swap3A_407 = vector.shape_cast %max3A_402 : vector<16xf32> to vector<1x16xf32>
      tpu.vector_store %arg11[%swap3A_403, %swap3A_404], %swap3A_407 {strides = array<i32>} : memref<32x128xf32, #tpu.memory_space<vmem>>, vector<1x16xf32>,
      %max3A_408 = arith.constant 0.000000e+00 : f32
      %max3A_409 = vector.broadcast %max3A_408 : f32 to vector<16xf32>
      %max3A_410 = arith.maximumf %parallel_loop3A_371#4, %max3A_409 : vector<16xf32>
      %swap3A_411 = arith.index_cast %add3A_375 : i32 to index
      %swap3A_412 = arith.constant 64 : index
      %swap3A_413 = tpu.vector_load %arg11[%swap3A_411, %swap3A_412] {strides = array<i32>} : memref<32x128xf32, #tpu.memory_space<vmem>>, vector<1x16xf32>,
      %swap3A_414 = vector.shape_cast %swap3A_413 : vector<1x16xf32> to vector<16xf32>
      %swap3A_415 = vector.shape_cast %max3A_410 : vector<16xf32> to vector<1x16xf32>
      tpu.vector_store %arg11[%swap3A_411, %swap3A_412], %swap3A_415 {strides = array<i32>} : memref<32x128xf32, #tpu.memory_space<vmem>>, vector<1x16xf32>,
      %max3A_416 = arith.constant 0.000000e+00 : f32
      %max3A_417 = vector.broadcast %max3A_416 : f32 to vector<16xf32>
      %max3A_418 = arith.maximumf %parallel_loop3A_371#5, %max3A_417 : vector<16xf32>
      %swap3A_419 = arith.index_cast %add3A_375 : i32 to index
      %swap3A_420 = arith.constant 80 : index
      %swap3A_421 = tpu.vector_load %arg11[%swap3A_419, %swap3A_420] {strides = array<i32>} : memref<32x128xf32, #tpu.memory_space<vmem>>, vector<1x16xf32>,
      %swap3A_422 = vector.shape_cast %swap3A_421 : vector<1x16xf32> to vector<16xf32>
      %swap3A_423 = vector.shape_cast %max3A_418 : vector<16xf32> to vector<1x16xf32>
      tpu.vector_store %arg11[%swap3A_419, %swap3A_420], %swap3A_423 {strides = array<i32>} : memref<32x128xf32, #tpu.memory_space<vmem>>, vector<1x16xf32>,
      %max3A_424 = arith.constant 0.000000e+00 : f32
      %max3A_425 = vector.broadcast %max3A_424 : f32 to vector<16xf32>
      %max3A_426 = arith.maximumf %parallel_loop3A_371#6, %max3A_425 : vector<16xf32>
      %swap3A_427 = arith.index_cast %add3A_375 : i32 to index
      %swap3A_428 = arith.constant 96 : index
      %swap3A_429 = tpu.vector_load %arg11[%swap3A_427, %swap3A_428] {strides = array<i32>} : memref<32x128xf32, #tpu.memory_space<vmem>>, vector<1x16xf32>,
      %swap3A_430 = vector.shape_cast %swap3A_429 : vector<1x16xf32> to vector<16xf32>
      %swap3A_431 = vector.shape_cast %max3A_426 : vector<16xf32> to vector<1x16xf32>
      tpu.vector_store %arg11[%swap3A_427, %swap3A_428], %swap3A_431 {strides = array<i32>} : memref<32x128xf32, #tpu.memory_space<vmem>>, vector<1x16xf32>,
      %max3A_432 = arith.constant 0.000000e+00 : f32
      %max3A_433 = vector.broadcast %max3A_432 : f32 to vector<16xf32>
      %max3A_434 = arith.maximumf %parallel_loop3A_371#7, %max3A_433 : vector<16xf32>
      %swap3A_435 = arith.index_cast %add3A_375 : i32 to index
      %swap3A_436 = arith.constant 112 : index
      %swap3A_437 = tpu.vector_load %arg11[%swap3A_435, %swap3A_436] {strides = array<i32>} : memref<32x128xf32, #tpu.memory_space<vmem>>, vector<1x16xf32>,
      %swap3A_438 = vector.shape_cast %swap3A_437 : vector<1x16xf32> to vector<16xf32>
      %swap3A_439 = vector.shape_cast %max3A_434 : vector<16xf32> to vector<1x16xf32>
      tpu.vector_store %arg11[%swap3A_435, %swap3A_436], %swap3A_439 {strides = array<i32>} : memref<32x128xf32, #tpu.memory_space<vmem>>, vector<1x16xf32>,
      %add3A_440 = arith.constant 4 : i32
      %add3A_441 = arith.addi %add3A_241, %add3A_440 : i32
      %lt3A_442 = arith.constant 16 : i32
      %lt3A_443 = arith.cmpi slt, %add3A_441, %lt3A_442 : i32
      %convert_element_type3A_444 = arith.extui %lt3A_443 : i1 to i32
      %cond3A_445 = arith.constant 0 : i32
      %cond3A_446 = arith.cmpi ne, %convert_element_type3A_444, %cond3A_445 : i32
      scf.if %cond3A_446 {
        %add3A_861 = arith.constant 4 : i32
        %add3A_862 = arith.addi %add3A_241, %add3A_861 : i32
        %dma_start3A_863 = arith.constant 0 : i32
        %dma_start3A_864 = tpu.memref_slice %arg6[%add3A_862, %dma_start3A_863] : memref<16x100xi32, #tpu.memory_space<vmem>> -> memref<1x100xi32, #tpu.memory_space<vmem>>
        %dma_start3A_865 = tpu.memref_squeeze %dma_start3A_864 : memref<1x100xi32, #tpu.memory_space<vmem>> -> memref<100xi32, #tpu.memory_space<vmem>>
        %dma_start3A_866 = arith.constant 0 : i32
        %dma_start3A_867 = arith.constant 0 : i32
        %dma_start3A_868 = tpu.memref_slice %arg3[%dma_start3A_866, %dma_start3A_867] : memref<100000x128xf32, #tpu.memory_space<hbm>> -> memref<100000x128xf32, #tpu.memory_space<hbm>>
        tpu.enqueue_indirect_dma source(%dma_start3A_868 : memref<100000x128xf32, #tpu.memory_space<hbm>>) target(%arg8 : memref<100x128xf32, #tpu.memory_space<vmem>>) offsets(%dma_start3A_865 : memref<100xi32, #tpu.memory_space<vmem>>) semaphore(%arg14 : memref<!tpu.dma_semaphore, #tpu.memory_space<semaphore_mem>>)
      } else {
      }
      %add3A_447 = arith.constant 2 : i32
      %add3A_448 = arith.addi %add3A_40, %add3A_447 : i32
      %dma_wait3A_449 = arith.constant 0 : i32
      %dma_wait3A_450 = tpu.memref_slice %arg6[%add3A_448, %dma_wait3A_449] : memref<16x100xi32, #tpu.memory_space<vmem>> -> memref<1x100xi32, #tpu.memory_space<vmem>>
      %dma_wait3A_451 = tpu.memref_squeeze %dma_wait3A_450 : memref<1x100xi32, #tpu.memory_space<vmem>> -> memref<100xi32, #tpu.memory_space<vmem>>
      %dma_wait3A_452 = arith.constant 0 : i32
      %dma_wait3A_453 = arith.constant 0 : i32
      %dma_wait3A_454 = tpu.memref_slice %arg3[%dma_wait3A_452, %dma_wait3A_453] : memref<100000x128xf32, #tpu.memory_space<hbm>> -> memref<100000x128xf32, #tpu.memory_space<hbm>>
      tpu.wait_indirect_dma semaphore(%arg15 : memref<!tpu.dma_semaphore, #tpu.memory_space<semaphore_mem>>) src(%dma_wait3A_454 : memref<100000x128xf32, #tpu.memory_space<hbm>>) dst(%arg9 : memref<100x128xf32, #tpu.memory_space<vmem>>)
      %get3A_455 = arith.constant 0 : index
      %get3A_456 = tpu.vector_load %arg12[%get3A_455] {strides = array<i32>} : memref<128xf32, #tpu.memory_space<vmem>>, vector<16xf32>,
      %get3A_457 = vector.shape_cast %get3A_456 : vector<16xf32> to vector<16xf32>
      %get3A_458 = arith.constant 16 : index
      %get3A_459 = tpu.vector_load %arg12[%get3A_458] {strides = array<i32>} : memref<128xf32, #tpu.memory_space<vmem>>, vector<16xf32>,
      %get3A_460 = vector.shape_cast %get3A_459 : vector<16xf32> to vector<16xf32>
      %get3A_461 = arith.constant 32 : index
      %get3A_462 = tpu.vector_load %arg12[%get3A_461] {strides = array<i32>} : memref<128xf32, #tpu.memory_space<vmem>>, vector<16xf32>,
      %get3A_463 = vector.shape_cast %get3A_462 : vector<16xf32> to vector<16xf32>
      %get3A_464 = arith.constant 48 : index
      %get3A_465 = tpu.vector_load %arg12[%get3A_464] {strides = array<i32>} : memref<128xf32, #tpu.memory_space<vmem>>, vector<16xf32>,
      %get3A_466 = vector.shape_cast %get3A_465 : vector<16xf32> to vector<16xf32>
      %get3A_467 = arith.constant 64 : index
      %get3A_468 = tpu.vector_load %arg12[%get3A_467] {strides = array<i32>} : memref<128xf32, #tpu.memory_space<vmem>>, vector<16xf32>,
      %get3A_469 = vector.shape_cast %get3A_468 : vector<16xf32> to vector<16xf32>
      %get3A_470 = arith.constant 80 : index
      %get3A_471 = tpu.vector_load %arg12[%get3A_470] {strides = array<i32>} : memref<128xf32, #tpu.memory_space<vmem>>, vector<16xf32>,
      %get3A_472 = vector.shape_cast %get3A_471 : vector<16xf32> to vector<16xf32>
      %get3A_473 = arith.constant 96 : index
      %get3A_474 = tpu.vector_load %arg12[%get3A_473] {strides = array<i32>} : memref<128xf32, #tpu.memory_space<vmem>>, vector<16xf32>,
      %get3A_475 = vector.shape_cast %get3A_474 : vector<16xf32> to vector<16xf32>
      %get3A_476 = arith.constant 112 : index
      %get3A_477 = tpu.vector_load %arg12[%get3A_476] {strides = array<i32>} : memref<128xf32, #tpu.memory_space<vmem>>, vector<16xf32>,
      %get3A_478 = vector.shape_cast %get3A_477 : vector<16xf32> to vector<16xf32>
      %parallel_loop3A_479 = arith.constant 0 : i32
      %parallel_loop3A_480 = arith.constant 50 : i32
      %parallel_loop3A_481 = arith.constant 1 : i32
      %parallel_loop3A_482:8 = scf.for %parallel_loop3A_861 = %parallel_loop3A_479 to %parallel_loop3A_480 step %parallel_loop3A_481 iter_args(%parallel_loop3A_862 = %get3A_457, %parallel_loop3A_863 = %get3A_460, %parallel_loop3A_864 = %get3A_463, %parallel_loop3A_865 = %get3A_466, %parallel_loop3A_866 = %get3A_469, %parallel_loop3A_867 = %get3A_472, %parallel_loop3A_868 = %get3A_475, %parallel_loop3A_869 = %get3A_478) -> (vector<16xf32>, vector<16xf32>, vector<16xf32>, vector<16xf32>, vector<16xf32>, vector<16xf32>, vector<16xf32>, vector<16xf32>)  : i32 {
        %parallel_loop3A_870 = arith.index_cast %parallel_loop3A_861 : i32 to index
        %parallel_loop3A_871 = arith.constant 0 : index
        %parallel_loop3A_872 = tpu.vector_load %arg9[%parallel_loop3A_870, %parallel_loop3A_871] {strides = array<i32>} : memref<100x128xf32, #tpu.memory_space<vmem>>, vector<1x16xf32>,
        %parallel_loop3A_873 = vector.shape_cast %parallel_loop3A_872 : vector<1x16xf32> to vector<16xf32>
        %parallel_loop3A_874 = arith.addf %parallel_loop3A_862, %parallel_loop3A_873 : vector<16xf32>
        %parallel_loop3A_875 = arith.index_cast %parallel_loop3A_861 : i32 to index
        %parallel_loop3A_876 = arith.constant 16 : index
        %parallel_loop3A_877 = tpu.vector_load %arg9[%parallel_loop3A_875, %parallel_loop3A_876] {strides = array<i32>} : memref<100x128xf32, #tpu.memory_space<vmem>>, vector<1x16xf32>,
        %parallel_loop3A_878 = vector.shape_cast %parallel_loop3A_877 : vector<1x16xf32> to vector<16xf32>
        %parallel_loop3A_879 = arith.addf %parallel_loop3A_863, %parallel_loop3A_878 : vector<16xf32>
        %parallel_loop3A_880 = arith.index_cast %parallel_loop3A_861 : i32 to index
        %parallel_loop3A_881 = arith.constant 32 : index
        %parallel_loop3A_882 = tpu.vector_load %arg9[%parallel_loop3A_880, %parallel_loop3A_881] {strides = array<i32>} : memref<100x128xf32, #tpu.memory_space<vmem>>, vector<1x16xf32>,
        %parallel_loop3A_883 = vector.shape_cast %parallel_loop3A_882 : vector<1x16xf32> to vector<16xf32>
        %parallel_loop3A_884 = arith.addf %parallel_loop3A_864, %parallel_loop3A_883 : vector<16xf32>
        %parallel_loop3A_885 = arith.index_cast %parallel_loop3A_861 : i32 to index
        %parallel_loop3A_886 = arith.constant 48 : index
        %parallel_loop3A_887 = tpu.vector_load %arg9[%parallel_loop3A_885, %parallel_loop3A_886] {strides = array<i32>} : memref<100x128xf32, #tpu.memory_space<vmem>>, vector<1x16xf32>,
        %parallel_loop3A_888 = vector.shape_cast %parallel_loop3A_887 : vector<1x16xf32> to vector<16xf32>
        %parallel_loop3A_889 = arith.addf %parallel_loop3A_865, %parallel_loop3A_888 : vector<16xf32>
        %parallel_loop3A_890 = arith.index_cast %parallel_loop3A_861 : i32 to index
        %parallel_loop3A_891 = arith.constant 64 : index
        %parallel_loop3A_892 = tpu.vector_load %arg9[%parallel_loop3A_890, %parallel_loop3A_891] {strides = array<i32>} : memref<100x128xf32, #tpu.memory_space<vmem>>, vector<1x16xf32>,
        %parallel_loop3A_893 = vector.shape_cast %parallel_loop3A_892 : vector<1x16xf32> to vector<16xf32>
        %parallel_loop3A_894 = arith.addf %parallel_loop3A_866, %parallel_loop3A_893 : vector<16xf32>
        %parallel_loop3A_895 = arith.index_cast %parallel_loop3A_861 : i32 to index
        %parallel_loop3A_896 = arith.constant 80 : index
        %parallel_loop3A_897 = tpu.vector_load %arg9[%parallel_loop3A_895, %parallel_loop3A_896] {strides = array<i32>} : memref<100x128xf32, #tpu.memory_space<vmem>>, vector<1x16xf32>,
        %parallel_loop3A_898 = vector.shape_cast %parallel_loop3A_897 : vector<1x16xf32> to vector<16xf32>
        %parallel_loop3A_899 = arith.addf %parallel_loop3A_867, %parallel_loop3A_898 : vector<16xf32>
        %parallel_loop3A_900 = arith.index_cast %parallel_loop3A_861 : i32 to index
        %parallel_loop3A_901 = arith.constant 96 : index
        %parallel_loop3A_902 = tpu.vector_load %arg9[%parallel_loop3A_900, %parallel_loop3A_901] {strides = array<i32>} : memref<100x128xf32, #tpu.memory_space<vmem>>, vector<1x16xf32>,
        %parallel_loop3A_903 = vector.shape_cast %parallel_loop3A_902 : vector<1x16xf32> to vector<16xf32>
        %parallel_loop3A_904 = arith.addf %parallel_loop3A_868, %parallel_loop3A_903 : vector<16xf32>
        %parallel_loop3A_905 = arith.index_cast %parallel_loop3A_861 : i32 to index
        %parallel_loop3A_906 = arith.constant 112 : index
        %parallel_loop3A_907 = tpu.vector_load %arg9[%parallel_loop3A_905, %parallel_loop3A_906] {strides = array<i32>} : memref<100x128xf32, #tpu.memory_space<vmem>>, vector<1x16xf32>,
        %parallel_loop3A_908 = vector.shape_cast %parallel_loop3A_907 : vector<1x16xf32> to vector<16xf32>
        %parallel_loop3A_909 = arith.addf %parallel_loop3A_869, %parallel_loop3A_908 : vector<16xf32>
        scf.yield %parallel_loop3A_874, %parallel_loop3A_879, %parallel_loop3A_884, %parallel_loop3A_889, %parallel_loop3A_894, %parallel_loop3A_899, %parallel_loop3A_904, %parallel_loop3A_909 : vector<16xf32>, vector<16xf32>, vector<16xf32>, vector<16xf32>, vector<16xf32>, vector<16xf32>, vector<16xf32>, vector<16xf32>
      } {sc.loop_unroll_factor = 5 : i64, sc.parallel_access}
      %mul3A_483 = arith.constant 2 : i32
      %mul3A_484 = arith.muli %add3A_448, %mul3A_483 : i32
      %add3A_485 = arith.constant 0 : i32
      %add3A_486 = arith.addi %mul3A_484, %add3A_485 : i32
      %max3A_487 = arith.constant 0.000000e+00 : f32
      %max3A_488 = vector.broadcast %max3A_487 : f32 to vector<16xf32>
      %max3A_489 = arith.maximumf %parallel_loop3A_482#0, %max3A_488 : vector<16xf32>
      %swap3A_490 = arith.index_cast %add3A_486 : i32 to index
      %swap3A_491 = arith.constant 0 : index
      %swap3A_492 = tpu.vector_load %arg11[%swap3A_490, %swap3A_491] {strides = array<i32>} : memref<32x128xf32, #tpu.memory_space<vmem>>, vector<1x16xf32>,
      %swap3A_493 = vector.shape_cast %swap3A_492 : vector<1x16xf32> to vector<16xf32>
      %swap3A_494 = vector.shape_cast %max3A_489 : vector<16xf32> to vector<1x16xf32>
      tpu.vector_store %arg11[%swap3A_490, %swap3A_491], %swap3A_494 {strides = array<i32>} : memref<32x128xf32, #tpu.memory_space<vmem>>, vector<1x16xf32>,
      %max3A_495 = arith.constant 0.000000e+00 : f32
      %max3A_496 = vector.broadcast %max3A_495 : f32 to vector<16xf32>
      %max3A_497 = arith.maximumf %parallel_loop3A_482#1, %max3A_496 : vector<16xf32>
      %swap3A_498 = arith.index_cast %add3A_486 : i32 to index
      %swap3A_499 = arith.constant 16 : index
      %swap3A_500 = tpu.vector_load %arg11[%swap3A_498, %swap3A_499] {strides = array<i32>} : memref<32x128xf32, #tpu.memory_space<vmem>>, vector<1x16xf32>,
      %swap3A_501 = vector.shape_cast %swap3A_500 : vector<1x16xf32> to vector<16xf32>
      %swap3A_502 = vector.shape_cast %max3A_497 : vector<16xf32> to vector<1x16xf32>
      tpu.vector_store %arg11[%swap3A_498, %swap3A_499], %swap3A_502 {strides = array<i32>} : memref<32x128xf32, #tpu.memory_space<vmem>>, vector<1x16xf32>,
      %max3A_503 = arith.constant 0.000000e+00 : f32
      %max3A_504 = vector.broadcast %max3A_503 : f32 to vector<16xf32>
      %max3A_505 = arith.maximumf %parallel_loop3A_482#2, %max3A_504 : vector<16xf32>
      %swap3A_506 = arith.index_cast %add3A_486 : i32 to index
      %swap3A_507 = arith.constant 32 : index
      %swap3A_508 = tpu.vector_load %arg11[%swap3A_506, %swap3A_507] {strides = array<i32>} : memref<32x128xf32, #tpu.memory_space<vmem>>, vector<1x16xf32>,
      %swap3A_509 = vector.shape_cast %swap3A_508 : vector<1x16xf32> to vector<16xf32>
      %swap3A_510 = vector.shape_cast %max3A_505 : vector<16xf32> to vector<1x16xf32>
      tpu.vector_store %arg11[%swap3A_506, %swap3A_507], %swap3A_510 {strides = array<i32>} : memref<32x128xf32, #tpu.memory_space<vmem>>, vector<1x16xf32>,
      %max3A_511 = arith.constant 0.000000e+00 : f32
      %max3A_512 = vector.broadcast %max3A_511 : f32 to vector<16xf32>
      %max3A_513 = arith.maximumf %parallel_loop3A_482#3, %max3A_512 : vector<16xf32>
      %swap3A_514 = arith.index_cast %add3A_486 : i32 to index
      %swap3A_515 = arith.constant 48 : index
      %swap3A_516 = tpu.vector_load %arg11[%swap3A_514, %swap3A_515] {strides = array<i32>} : memref<32x128xf32, #tpu.memory_space<vmem>>, vector<1x16xf32>,
      %swap3A_517 = vector.shape_cast %swap3A_516 : vector<1x16xf32> to vector<16xf32>
      %swap3A_518 = vector.shape_cast %max3A_513 : vector<16xf32> to vector<1x16xf32>
      tpu.vector_store %arg11[%swap3A_514, %swap3A_515], %swap3A_518 {strides = array<i32>} : memref<32x128xf32, #tpu.memory_space<vmem>>, vector<1x16xf32>,
      %max3A_519 = arith.constant 0.000000e+00 : f32
      %max3A_520 = vector.broadcast %max3A_519 : f32 to vector<16xf32>
      %max3A_521 = arith.maximumf %parallel_loop3A_482#4, %max3A_520 : vector<16xf32>
      %swap3A_522 = arith.index_cast %add3A_486 : i32 to index
      %swap3A_523 = arith.constant 64 : index
      %swap3A_524 = tpu.vector_load %arg11[%swap3A_522, %swap3A_523] {strides = array<i32>} : memref<32x128xf32, #tpu.memory_space<vmem>>, vector<1x16xf32>,
      %swap3A_525 = vector.shape_cast %swap3A_524 : vector<1x16xf32> to vector<16xf32>
      %swap3A_526 = vector.shape_cast %max3A_521 : vector<16xf32> to vector<1x16xf32>
      tpu.vector_store %arg11[%swap3A_522, %swap3A_523], %swap3A_526 {strides = array<i32>} : memref<32x128xf32, #tpu.memory_space<vmem>>, vector<1x16xf32>,
      %max3A_527 = arith.constant 0.000000e+00 : f32
      %max3A_528 = vector.broadcast %max3A_527 : f32 to vector<16xf32>
      %max3A_529 = arith.maximumf %parallel_loop3A_482#5, %max3A_528 : vector<16xf32>
      %swap3A_530 = arith.index_cast %add3A_486 : i32 to index
      %swap3A_531 = arith.constant 80 : index
      %swap3A_532 = tpu.vector_load %arg11[%swap3A_530, %swap3A_531] {strides = array<i32>} : memref<32x128xf32, #tpu.memory_space<vmem>>, vector<1x16xf32>,
      %swap3A_533 = vector.shape_cast %swap3A_532 : vector<1x16xf32> to vector<16xf32>
      %swap3A_534 = vector.shape_cast %max3A_529 : vector<16xf32> to vector<1x16xf32>
      tpu.vector_store %arg11[%swap3A_530, %swap3A_531], %swap3A_534 {strides = array<i32>} : memref<32x128xf32, #tpu.memory_space<vmem>>, vector<1x16xf32>,
      %max3A_535 = arith.constant 0.000000e+00 : f32
      %max3A_536 = vector.broadcast %max3A_535 : f32 to vector<16xf32>
      %max3A_537 = arith.maximumf %parallel_loop3A_482#6, %max3A_536 : vector<16xf32>
      %swap3A_538 = arith.index_cast %add3A_486 : i32 to index
      %swap3A_539 = arith.constant 96 : index
      %swap3A_540 = tpu.vector_load %arg11[%swap3A_538, %swap3A_539] {strides = array<i32>} : memref<32x128xf32, #tpu.memory_space<vmem>>, vector<1x16xf32>,
      %swap3A_541 = vector.shape_cast %swap3A_540 : vector<1x16xf32> to vector<16xf32>
      %swap3A_542 = vector.shape_cast %max3A_537 : vector<16xf32> to vector<1x16xf32>
      tpu.vector_store %arg11[%swap3A_538, %swap3A_539], %swap3A_542 {strides = array<i32>} : memref<32x128xf32, #tpu.memory_space<vmem>>, vector<1x16xf32>,
      %max3A_543 = arith.constant 0.000000e+00 : f32
      %max3A_544 = vector.broadcast %max3A_543 : f32 to vector<16xf32>
      %max3A_545 = arith.maximumf %parallel_loop3A_482#7, %max3A_544 : vector<16xf32>
      %swap3A_546 = arith.index_cast %add3A_486 : i32 to index
      %swap3A_547 = arith.constant 112 : index
      %swap3A_548 = tpu.vector_load %arg11[%swap3A_546, %swap3A_547] {strides = array<i32>} : memref<32x128xf32, #tpu.memory_space<vmem>>, vector<1x16xf32>,
      %swap3A_549 = vector.shape_cast %swap3A_548 : vector<1x16xf32> to vector<16xf32>
      %swap3A_550 = vector.shape_cast %max3A_545 : vector<16xf32> to vector<1x16xf32>
      tpu.vector_store %arg11[%swap3A_546, %swap3A_547], %swap3A_550 {strides = array<i32>} : memref<32x128xf32, #tpu.memory_space<vmem>>, vector<1x16xf32>,
      %get3A_551 = arith.constant 0 : index
      %get3A_552 = tpu.vector_load %arg12[%get3A_551] {strides = array<i32>} : memref<128xf32, #tpu.memory_space<vmem>>, vector<16xf32>,
      %get3A_553 = vector.shape_cast %get3A_552 : vector<16xf32> to vector<16xf32>
      %get3A_554 = arith.constant 16 : index
      %get3A_555 = tpu.vector_load %arg12[%get3A_554] {strides = array<i32>} : memref<128xf32, #tpu.memory_space<vmem>>, vector<16xf32>,
      %get3A_556 = vector.shape_cast %get3A_555 : vector<16xf32> to vector<16xf32>
      %get3A_557 = arith.constant 32 : index
      %get3A_558 = tpu.vector_load %arg12[%get3A_557] {strides = array<i32>} : memref<128xf32, #tpu.memory_space<vmem>>, vector<16xf32>,
      %get3A_559 = vector.shape_cast %get3A_558 : vector<16xf32> to vector<16xf32>
      %get3A_560 = arith.constant 48 : index
      %get3A_561 = tpu.vector_load %arg12[%get3A_560] {strides = array<i32>} : memref<128xf32, #tpu.memory_space<vmem>>, vector<16xf32>,
      %get3A_562 = vector.shape_cast %get3A_561 : vector<16xf32> to vector<16xf32>
      %get3A_563 = arith.constant 64 : index
      %get3A_564 = tpu.vector_load %arg12[%get3A_563] {strides = array<i32>} : memref<128xf32, #tpu.memory_space<vmem>>, vector<16xf32>,
      %get3A_565 = vector.shape_cast %get3A_564 : vector<16xf32> to vector<16xf32>
      %get3A_566 = arith.constant 80 : index
      %get3A_567 = tpu.vector_load %arg12[%get3A_566] {strides = array<i32>} : memref<128xf32, #tpu.memory_space<vmem>>, vector<16xf32>,
      %get3A_568 = vector.shape_cast %get3A_567 : vector<16xf32> to vector<16xf32>
      %get3A_569 = arith.constant 96 : index
      %get3A_570 = tpu.vector_load %arg12[%get3A_569] {strides = array<i32>} : memref<128xf32, #tpu.memory_space<vmem>>, vector<16xf32>,
      %get3A_571 = vector.shape_cast %get3A_570 : vector<16xf32> to vector<16xf32>
      %get3A_572 = arith.constant 112 : index
      %get3A_573 = tpu.vector_load %arg12[%get3A_572] {strides = array<i32>} : memref<128xf32, #tpu.memory_space<vmem>>, vector<16xf32>,
      %get3A_574 = vector.shape_cast %get3A_573 : vector<16xf32> to vector<16xf32>
      %parallel_loop3A_575 = arith.constant 50 : i32
      %parallel_loop3A_576 = arith.constant 100 : i32
      %parallel_loop3A_577 = arith.constant 1 : i32
      %parallel_loop3A_578:8 = scf.for %parallel_loop3A_861 = %parallel_loop3A_575 to %parallel_loop3A_576 step %parallel_loop3A_577 iter_args(%parallel_loop3A_862 = %get3A_553, %parallel_loop3A_863 = %get3A_556, %parallel_loop3A_864 = %get3A_559, %parallel_loop3A_865 = %get3A_562, %parallel_loop3A_866 = %get3A_565, %parallel_loop3A_867 = %get3A_568, %parallel_loop3A_868 = %get3A_571, %parallel_loop3A_869 = %get3A_574) -> (vector<16xf32>, vector<16xf32>, vector<16xf32>, vector<16xf32>, vector<16xf32>, vector<16xf32>, vector<16xf32>, vector<16xf32>)  : i32 {
        %parallel_loop3A_870 = arith.index_cast %parallel_loop3A_861 : i32 to index
        %parallel_loop3A_871 = arith.constant 0 : index
        %parallel_loop3A_872 = tpu.vector_load %arg9[%parallel_loop3A_870, %parallel_loop3A_871] {strides = array<i32>} : memref<100x128xf32, #tpu.memory_space<vmem>>, vector<1x16xf32>,
        %parallel_loop3A_873 = vector.shape_cast %parallel_loop3A_872 : vector<1x16xf32> to vector<16xf32>
        %parallel_loop3A_874 = arith.addf %parallel_loop3A_862, %parallel_loop3A_873 : vector<16xf32>
        %parallel_loop3A_875 = arith.index_cast %parallel_loop3A_861 : i32 to index
        %parallel_loop3A_876 = arith.constant 16 : index
        %parallel_loop3A_877 = tpu.vector_load %arg9[%parallel_loop3A_875, %parallel_loop3A_876] {strides = array<i32>} : memref<100x128xf32, #tpu.memory_space<vmem>>, vector<1x16xf32>,
        %parallel_loop3A_878 = vector.shape_cast %parallel_loop3A_877 : vector<1x16xf32> to vector<16xf32>
        %parallel_loop3A_879 = arith.addf %parallel_loop3A_863, %parallel_loop3A_878 : vector<16xf32>
        %parallel_loop3A_880 = arith.index_cast %parallel_loop3A_861 : i32 to index
        %parallel_loop3A_881 = arith.constant 32 : index
        %parallel_loop3A_882 = tpu.vector_load %arg9[%parallel_loop3A_880, %parallel_loop3A_881] {strides = array<i32>} : memref<100x128xf32, #tpu.memory_space<vmem>>, vector<1x16xf32>,
        %parallel_loop3A_883 = vector.shape_cast %parallel_loop3A_882 : vector<1x16xf32> to vector<16xf32>
        %parallel_loop3A_884 = arith.addf %parallel_loop3A_864, %parallel_loop3A_883 : vector<16xf32>
        %parallel_loop3A_885 = arith.index_cast %parallel_loop3A_861 : i32 to index
        %parallel_loop3A_886 = arith.constant 48 : index
        %parallel_loop3A_887 = tpu.vector_load %arg9[%parallel_loop3A_885, %parallel_loop3A_886] {strides = array<i32>} : memref<100x128xf32, #tpu.memory_space<vmem>>, vector<1x16xf32>,
        %parallel_loop3A_888 = vector.shape_cast %parallel_loop3A_887 : vector<1x16xf32> to vector<16xf32>
        %parallel_loop3A_889 = arith.addf %parallel_loop3A_865, %parallel_loop3A_888 : vector<16xf32>
        %parallel_loop3A_890 = arith.index_cast %parallel_loop3A_861 : i32 to index
        %parallel_loop3A_891 = arith.constant 64 : index
        %parallel_loop3A_892 = tpu.vector_load %arg9[%parallel_loop3A_890, %parallel_loop3A_891] {strides = array<i32>} : memref<100x128xf32, #tpu.memory_space<vmem>>, vector<1x16xf32>,
        %parallel_loop3A_893 = vector.shape_cast %parallel_loop3A_892 : vector<1x16xf32> to vector<16xf32>
        %parallel_loop3A_894 = arith.addf %parallel_loop3A_866, %parallel_loop3A_893 : vector<16xf32>
        %parallel_loop3A_895 = arith.index_cast %parallel_loop3A_861 : i32 to index
        %parallel_loop3A_896 = arith.constant 80 : index
        %parallel_loop3A_897 = tpu.vector_load %arg9[%parallel_loop3A_895, %parallel_loop3A_896] {strides = array<i32>} : memref<100x128xf32, #tpu.memory_space<vmem>>, vector<1x16xf32>,
        %parallel_loop3A_898 = vector.shape_cast %parallel_loop3A_897 : vector<1x16xf32> to vector<16xf32>
        %parallel_loop3A_899 = arith.addf %parallel_loop3A_867, %parallel_loop3A_898 : vector<16xf32>
        %parallel_loop3A_900 = arith.index_cast %parallel_loop3A_861 : i32 to index
        %parallel_loop3A_901 = arith.constant 96 : index
        %parallel_loop3A_902 = tpu.vector_load %arg9[%parallel_loop3A_900, %parallel_loop3A_901] {strides = array<i32>} : memref<100x128xf32, #tpu.memory_space<vmem>>, vector<1x16xf32>,
        %parallel_loop3A_903 = vector.shape_cast %parallel_loop3A_902 : vector<1x16xf32> to vector<16xf32>
        %parallel_loop3A_904 = arith.addf %parallel_loop3A_868, %parallel_loop3A_903 : vector<16xf32>
        %parallel_loop3A_905 = arith.index_cast %parallel_loop3A_861 : i32 to index
        %parallel_loop3A_906 = arith.constant 112 : index
        %parallel_loop3A_907 = tpu.vector_load %arg9[%parallel_loop3A_905, %parallel_loop3A_906] {strides = array<i32>} : memref<100x128xf32, #tpu.memory_space<vmem>>, vector<1x16xf32>,
        %parallel_loop3A_908 = vector.shape_cast %parallel_loop3A_907 : vector<1x16xf32> to vector<16xf32>
        %parallel_loop3A_909 = arith.addf %parallel_loop3A_869, %parallel_loop3A_908 : vector<16xf32>
        scf.yield %parallel_loop3A_874, %parallel_loop3A_879, %parallel_loop3A_884, %parallel_loop3A_889, %parallel_loop3A_894, %parallel_loop3A_899, %parallel_loop3A_904, %parallel_loop3A_909 : vector<16xf32>, vector<16xf32>, vector<16xf32>, vector<16xf32>, vector<16xf32>, vector<16xf32>, vector<16xf32>, vector<16xf32>
      } {sc.loop_unroll_factor = 5 : i64, sc.parallel_access}
      %mul3A_579 = arith.constant 2 : i32
      %mul3A_580 = arith.muli %add3A_448, %mul3A_579 : i32
      %add3A_581 = arith.constant 1 : i32
      %add3A_582 = arith.addi %mul3A_580, %add3A_581 : i32
      %max3A_583 = arith.constant 0.000000e+00 : f32
      %max3A_584 = vector.broadcast %max3A_583 : f32 to vector<16xf32>
      %max3A_585 = arith.maximumf %parallel_loop3A_578#0, %max3A_584 : vector<16xf32>
      %swap3A_586 = arith.index_cast %add3A_582 : i32 to index
      %swap3A_587 = arith.constant 0 : index
      %swap3A_588 = tpu.vector_load %arg11[%swap3A_586, %swap3A_587] {strides = array<i32>} : memref<32x128xf32, #tpu.memory_space<vmem>>, vector<1x16xf32>,
      %swap3A_589 = vector.shape_cast %swap3A_588 : vector<1x16xf32> to vector<16xf32>
      %swap3A_590 = vector.shape_cast %max3A_585 : vector<16xf32> to vector<1x16xf32>
      tpu.vector_store %arg11[%swap3A_586, %swap3A_587], %swap3A_590 {strides = array<i32>} : memref<32x128xf32, #tpu.memory_space<vmem>>, vector<1x16xf32>,
      %max3A_591 = arith.constant 0.000000e+00 : f32
      %max3A_592 = vector.broadcast %max3A_591 : f32 to vector<16xf32>
      %max3A_593 = arith.maximumf %parallel_loop3A_578#1, %max3A_592 : vector<16xf32>
      %swap3A_594 = arith.index_cast %add3A_582 : i32 to index
      %swap3A_595 = arith.constant 16 : index
      %swap3A_596 = tpu.vector_load %arg11[%swap3A_594, %swap3A_595] {strides = array<i32>} : memref<32x128xf32, #tpu.memory_space<vmem>>, vector<1x16xf32>,
      %swap3A_597 = vector.shape_cast %swap3A_596 : vector<1x16xf32> to vector<16xf32>
      %swap3A_598 = vector.shape_cast %max3A_593 : vector<16xf32> to vector<1x16xf32>
      tpu.vector_store %arg11[%swap3A_594, %swap3A_595], %swap3A_598 {strides = array<i32>} : memref<32x128xf32, #tpu.memory_space<vmem>>, vector<1x16xf32>,
      %max3A_599 = arith.constant 0.000000e+00 : f32
      %max3A_600 = vector.broadcast %max3A_599 : f32 to vector<16xf32>
      %max3A_601 = arith.maximumf %parallel_loop3A_578#2, %max3A_600 : vector<16xf32>
      %swap3A_602 = arith.index_cast %add3A_582 : i32 to index
      %swap3A_603 = arith.constant 32 : index
      %swap3A_604 = tpu.vector_load %arg11[%swap3A_602, %swap3A_603] {strides = array<i32>} : memref<32x128xf32, #tpu.memory_space<vmem>>, vector<1x16xf32>,
      %swap3A_605 = vector.shape_cast %swap3A_604 : vector<1x16xf32> to vector<16xf32>
      %swap3A_606 = vector.shape_cast %max3A_601 : vector<16xf32> to vector<1x16xf32>
      tpu.vector_store %arg11[%swap3A_602, %swap3A_603], %swap3A_606 {strides = array<i32>} : memref<32x128xf32, #tpu.memory_space<vmem>>, vector<1x16xf32>,
      %max3A_607 = arith.constant 0.000000e+00 : f32
      %max3A_608 = vector.broadcast %max3A_607 : f32 to vector<16xf32>
      %max3A_609 = arith.maximumf %parallel_loop3A_578#3, %max3A_608 : vector<16xf32>
      %swap3A_610 = arith.index_cast %add3A_582 : i32 to index
      %swap3A_611 = arith.constant 48 : index
      %swap3A_612 = tpu.vector_load %arg11[%swap3A_610, %swap3A_611] {strides = array<i32>} : memref<32x128xf32, #tpu.memory_space<vmem>>, vector<1x16xf32>,
      %swap3A_613 = vector.shape_cast %swap3A_612 : vector<1x16xf32> to vector<16xf32>
      %swap3A_614 = vector.shape_cast %max3A_609 : vector<16xf32> to vector<1x16xf32>
      tpu.vector_store %arg11[%swap3A_610, %swap3A_611], %swap3A_614 {strides = array<i32>} : memref<32x128xf32, #tpu.memory_space<vmem>>, vector<1x16xf32>,
      %max3A_615 = arith.constant 0.000000e+00 : f32
      %max3A_616 = vector.broadcast %max3A_615 : f32 to vector<16xf32>
      %max3A_617 = arith.maximumf %parallel_loop3A_578#4, %max3A_616 : vector<16xf32>
      %swap3A_618 = arith.index_cast %add3A_582 : i32 to index
      %swap3A_619 = arith.constant 64 : index
      %swap3A_620 = tpu.vector_load %arg11[%swap3A_618, %swap3A_619] {strides = array<i32>} : memref<32x128xf32, #tpu.memory_space<vmem>>, vector<1x16xf32>,
      %swap3A_621 = vector.shape_cast %swap3A_620 : vector<1x16xf32> to vector<16xf32>
      %swap3A_622 = vector.shape_cast %max3A_617 : vector<16xf32> to vector<1x16xf32>
      tpu.vector_store %arg11[%swap3A_618, %swap3A_619], %swap3A_622 {strides = array<i32>} : memref<32x128xf32, #tpu.memory_space<vmem>>, vector<1x16xf32>,
      %max3A_623 = arith.constant 0.000000e+00 : f32
      %max3A_624 = vector.broadcast %max3A_623 : f32 to vector<16xf32>
      %max3A_625 = arith.maximumf %parallel_loop3A_578#5, %max3A_624 : vector<16xf32>
      %swap3A_626 = arith.index_cast %add3A_582 : i32 to index
      %swap3A_627 = arith.constant 80 : index
      %swap3A_628 = tpu.vector_load %arg11[%swap3A_626, %swap3A_627] {strides = array<i32>} : memref<32x128xf32, #tpu.memory_space<vmem>>, vector<1x16xf32>,
      %swap3A_629 = vector.shape_cast %swap3A_628 : vector<1x16xf32> to vector<16xf32>
      %swap3A_630 = vector.shape_cast %max3A_625 : vector<16xf32> to vector<1x16xf32>
      tpu.vector_store %arg11[%swap3A_626, %swap3A_627], %swap3A_630 {strides = array<i32>} : memref<32x128xf32, #tpu.memory_space<vmem>>, vector<1x16xf32>,
      %max3A_631 = arith.constant 0.000000e+00 : f32
      %max3A_632 = vector.broadcast %max3A_631 : f32 to vector<16xf32>
      %max3A_633 = arith.maximumf %parallel_loop3A_578#6, %max3A_632 : vector<16xf32>
      %swap3A_634 = arith.index_cast %add3A_582 : i32 to index
      %swap3A_635 = arith.constant 96 : index
      %swap3A_636 = tpu.vector_load %arg11[%swap3A_634, %swap3A_635] {strides = array<i32>} : memref<32x128xf32, #tpu.memory_space<vmem>>, vector<1x16xf32>,
      %swap3A_637 = vector.shape_cast %swap3A_636 : vector<1x16xf32> to vector<16xf32>
      %swap3A_638 = vector.shape_cast %max3A_633 : vector<16xf32> to vector<1x16xf32>
      tpu.vector_store %arg11[%swap3A_634, %swap3A_635], %swap3A_638 {strides = array<i32>} : memref<32x128xf32, #tpu.memory_space<vmem>>, vector<1x16xf32>,
      %max3A_639 = arith.constant 0.000000e+00 : f32
      %max3A_640 = vector.broadcast %max3A_639 : f32 to vector<16xf32>
      %max3A_641 = arith.maximumf %parallel_loop3A_578#7, %max3A_640 : vector<16xf32>
      %swap3A_642 = arith.index_cast %add3A_582 : i32 to index
      %swap3A_643 = arith.constant 112 : index
      %swap3A_644 = tpu.vector_load %arg11[%swap3A_642, %swap3A_643] {strides = array<i32>} : memref<32x128xf32, #tpu.memory_space<vmem>>, vector<1x16xf32>,
      %swap3A_645 = vector.shape_cast %swap3A_644 : vector<1x16xf32> to vector<16xf32>
      %swap3A_646 = vector.shape_cast %max3A_641 : vector<16xf32> to vector<1x16xf32>
      tpu.vector_store %arg11[%swap3A_642, %swap3A_643], %swap3A_646 {strides = array<i32>} : memref<32x128xf32, #tpu.memory_space<vmem>>, vector<1x16xf32>,
      %add3A_647 = arith.constant 4 : i32
      %add3A_648 = arith.addi %add3A_448, %add3A_647 : i32
      %lt3A_649 = arith.constant 16 : i32
      %lt3A_650 = arith.cmpi slt, %add3A_648, %lt3A_649 : i32
      %convert_element_type3A_651 = arith.extui %lt3A_650 : i1 to i32
      %cond3A_652 = arith.constant 0 : i32
      %cond3A_653 = arith.cmpi ne, %convert_element_type3A_651, %cond3A_652 : i32
      scf.if %cond3A_653 {
        %add3A_861 = arith.constant 4 : i32
        %add3A_862 = arith.addi %add3A_448, %add3A_861 : i32
        %dma_start3A_863 = arith.constant 0 : i32
        %dma_start3A_864 = tpu.memref_slice %arg6[%add3A_862, %dma_start3A_863] : memref<16x100xi32, #tpu.memory_space<vmem>> -> memref<1x100xi32, #tpu.memory_space<vmem>>
        %dma_start3A_865 = tpu.memref_squeeze %dma_start3A_864 : memref<1x100xi32, #tpu.memory_space<vmem>> -> memref<100xi32, #tpu.memory_space<vmem>>
        %dma_start3A_866 = arith.constant 0 : i32
        %dma_start3A_867 = arith.constant 0 : i32
        %dma_start3A_868 = tpu.memref_slice %arg3[%dma_start3A_866, %dma_start3A_867] : memref<100000x128xf32, #tpu.memory_space<hbm>> -> memref<100000x128xf32, #tpu.memory_space<hbm>>
        tpu.enqueue_indirect_dma source(%dma_start3A_868 : memref<100000x128xf32, #tpu.memory_space<hbm>>) target(%arg9 : memref<100x128xf32, #tpu.memory_space<vmem>>) offsets(%dma_start3A_865 : memref<100xi32, #tpu.memory_space<vmem>>) semaphore(%arg15 : memref<!tpu.dma_semaphore, #tpu.memory_space<semaphore_mem>>)
      } else {
      }
      %add3A_654 = arith.constant 3 : i32
      %add3A_655 = arith.addi %add3A_40, %add3A_654 : i32
      %dma_wait3A_656 = arith.constant 0 : i32
      %dma_wait3A_657 = tpu.memref_slice %arg6[%add3A_655, %dma_wait3A_656] : memref<16x100xi32, #tpu.memory_space<vmem>> -> memref<1x100xi32, #tpu.memory_space<vmem>>
      %dma_wait3A_658 = tpu.memref_squeeze %dma_wait3A_657 : memref<1x100xi32, #tpu.memory_space<vmem>> -> memref<100xi32, #tpu.memory_space<vmem>>
      %dma_wait3A_659 = arith.constant 0 : i32
      %dma_wait3A_660 = arith.constant 0 : i32
      %dma_wait3A_661 = tpu.memref_slice %arg3[%dma_wait3A_659, %dma_wait3A_660] : memref<100000x128xf32, #tpu.memory_space<hbm>> -> memref<100000x128xf32, #tpu.memory_space<hbm>>
      tpu.wait_indirect_dma semaphore(%arg16 : memref<!tpu.dma_semaphore, #tpu.memory_space<semaphore_mem>>) src(%dma_wait3A_661 : memref<100000x128xf32, #tpu.memory_space<hbm>>) dst(%arg10 : memref<100x128xf32, #tpu.memory_space<vmem>>)
      %get3A_662 = arith.constant 0 : index
      %get3A_663 = tpu.vector_load %arg12[%get3A_662] {strides = array<i32>} : memref<128xf32, #tpu.memory_space<vmem>>, vector<16xf32>,
      %get3A_664 = vector.shape_cast %get3A_663 : vector<16xf32> to vector<16xf32>
      %get3A_665 = arith.constant 16 : index
      %get3A_666 = tpu.vector_load %arg12[%get3A_665] {strides = array<i32>} : memref<128xf32, #tpu.memory_space<vmem>>, vector<16xf32>,
      %get3A_667 = vector.shape_cast %get3A_666 : vector<16xf32> to vector<16xf32>
      %get3A_668 = arith.constant 32 : index
      %get3A_669 = tpu.vector_load %arg12[%get3A_668] {strides = array<i32>} : memref<128xf32, #tpu.memory_space<vmem>>, vector<16xf32>,
      %get3A_670 = vector.shape_cast %get3A_669 : vector<16xf32> to vector<16xf32>
      %get3A_671 = arith.constant 48 : index
      %get3A_672 = tpu.vector_load %arg12[%get3A_671] {strides = array<i32>} : memref<128xf32, #tpu.memory_space<vmem>>, vector<16xf32>,
      %get3A_673 = vector.shape_cast %get3A_672 : vector<16xf32> to vector<16xf32>
      %get3A_674 = arith.constant 64 : index
      %get3A_675 = tpu.vector_load %arg12[%get3A_674] {strides = array<i32>} : memref<128xf32, #tpu.memory_space<vmem>>, vector<16xf32>,
      %get3A_676 = vector.shape_cast %get3A_675 : vector<16xf32> to vector<16xf32>
      %get3A_677 = arith.constant 80 : index
      %get3A_678 = tpu.vector_load %arg12[%get3A_677] {strides = array<i32>} : memref<128xf32, #tpu.memory_space<vmem>>, vector<16xf32>,
      %get3A_679 = vector.shape_cast %get3A_678 : vector<16xf32> to vector<16xf32>
      %get3A_680 = arith.constant 96 : index
      %get3A_681 = tpu.vector_load %arg12[%get3A_680] {strides = array<i32>} : memref<128xf32, #tpu.memory_space<vmem>>, vector<16xf32>,
      %get3A_682 = vector.shape_cast %get3A_681 : vector<16xf32> to vector<16xf32>
      %get3A_683 = arith.constant 112 : index
      %get3A_684 = tpu.vector_load %arg12[%get3A_683] {strides = array<i32>} : memref<128xf32, #tpu.memory_space<vmem>>, vector<16xf32>,
      %get3A_685 = vector.shape_cast %get3A_684 : vector<16xf32> to vector<16xf32>
      %parallel_loop3A_686 = arith.constant 0 : i32
      %parallel_loop3A_687 = arith.constant 50 : i32
      %parallel_loop3A_688 = arith.constant 1 : i32
      %parallel_loop3A_689:8 = scf.for %parallel_loop3A_861 = %parallel_loop3A_686 to %parallel_loop3A_687 step %parallel_loop3A_688 iter_args(%parallel_loop3A_862 = %get3A_664, %parallel_loop3A_863 = %get3A_667, %parallel_loop3A_864 = %get3A_670, %parallel_loop3A_865 = %get3A_673, %parallel_loop3A_866 = %get3A_676, %parallel_loop3A_867 = %get3A_679, %parallel_loop3A_868 = %get3A_682, %parallel_loop3A_869 = %get3A_685) -> (vector<16xf32>, vector<16xf32>, vector<16xf32>, vector<16xf32>, vector<16xf32>, vector<16xf32>, vector<16xf32>, vector<16xf32>)  : i32 {
        %parallel_loop3A_870 = arith.index_cast %parallel_loop3A_861 : i32 to index
        %parallel_loop3A_871 = arith.constant 0 : index
        %parallel_loop3A_872 = tpu.vector_load %arg10[%parallel_loop3A_870, %parallel_loop3A_871] {strides = array<i32>} : memref<100x128xf32, #tpu.memory_space<vmem>>, vector<1x16xf32>,
        %parallel_loop3A_873 = vector.shape_cast %parallel_loop3A_872 : vector<1x16xf32> to vector<16xf32>
        %parallel_loop3A_874 = arith.addf %parallel_loop3A_862, %parallel_loop3A_873 : vector<16xf32>
        %parallel_loop3A_875 = arith.index_cast %parallel_loop3A_861 : i32 to index
        %parallel_loop3A_876 = arith.constant 16 : index
        %parallel_loop3A_877 = tpu.vector_load %arg10[%parallel_loop3A_875, %parallel_loop3A_876] {strides = array<i32>} : memref<100x128xf32, #tpu.memory_space<vmem>>, vector<1x16xf32>,
        %parallel_loop3A_878 = vector.shape_cast %parallel_loop3A_877 : vector<1x16xf32> to vector<16xf32>
        %parallel_loop3A_879 = arith.addf %parallel_loop3A_863, %parallel_loop3A_878 : vector<16xf32>
        %parallel_loop3A_880 = arith.index_cast %parallel_loop3A_861 : i32 to index
        %parallel_loop3A_881 = arith.constant 32 : index
        %parallel_loop3A_882 = tpu.vector_load %arg10[%parallel_loop3A_880, %parallel_loop3A_881] {strides = array<i32>} : memref<100x128xf32, #tpu.memory_space<vmem>>, vector<1x16xf32>,
        %parallel_loop3A_883 = vector.shape_cast %parallel_loop3A_882 : vector<1x16xf32> to vector<16xf32>
        %parallel_loop3A_884 = arith.addf %parallel_loop3A_864, %parallel_loop3A_883 : vector<16xf32>
        %parallel_loop3A_885 = arith.index_cast %parallel_loop3A_861 : i32 to index
        %parallel_loop3A_886 = arith.constant 48 : index
        %parallel_loop3A_887 = tpu.vector_load %arg10[%parallel_loop3A_885, %parallel_loop3A_886] {strides = array<i32>} : memref<100x128xf32, #tpu.memory_space<vmem>>, vector<1x16xf32>,
        %parallel_loop3A_888 = vector.shape_cast %parallel_loop3A_887 : vector<1x16xf32> to vector<16xf32>
        %parallel_loop3A_889 = arith.addf %parallel_loop3A_865, %parallel_loop3A_888 : vector<16xf32>
        %parallel_loop3A_890 = arith.index_cast %parallel_loop3A_861 : i32 to index
        %parallel_loop3A_891 = arith.constant 64 : index
        %parallel_loop3A_892 = tpu.vector_load %arg10[%parallel_loop3A_890, %parallel_loop3A_891] {strides = array<i32>} : memref<100x128xf32, #tpu.memory_space<vmem>>, vector<1x16xf32>,
        %parallel_loop3A_893 = vector.shape_cast %parallel_loop3A_892 : vector<1x16xf32> to vector<16xf32>
        %parallel_loop3A_894 = arith.addf %parallel_loop3A_866, %parallel_loop3A_893 : vector<16xf32>
        %parallel_loop3A_895 = arith.index_cast %parallel_loop3A_861 : i32 to index
        %parallel_loop3A_896 = arith.constant 80 : index
        %parallel_loop3A_897 = tpu.vector_load %arg10[%parallel_loop3A_895, %parallel_loop3A_896] {strides = array<i32>} : memref<100x128xf32, #tpu.memory_space<vmem>>, vector<1x16xf32>,
        %parallel_loop3A_898 = vector.shape_cast %parallel_loop3A_897 : vector<1x16xf32> to vector<16xf32>
        %parallel_loop3A_899 = arith.addf %parallel_loop3A_867, %parallel_loop3A_898 : vector<16xf32>
        %parallel_loop3A_900 = arith.index_cast %parallel_loop3A_861 : i32 to index
        %parallel_loop3A_901 = arith.constant 96 : index
        %parallel_loop3A_902 = tpu.vector_load %arg10[%parallel_loop3A_900, %parallel_loop3A_901] {strides = array<i32>} : memref<100x128xf32, #tpu.memory_space<vmem>>, vector<1x16xf32>,
        %parallel_loop3A_903 = vector.shape_cast %parallel_loop3A_902 : vector<1x16xf32> to vector<16xf32>
        %parallel_loop3A_904 = arith.addf %parallel_loop3A_868, %parallel_loop3A_903 : vector<16xf32>
        %parallel_loop3A_905 = arith.index_cast %parallel_loop3A_861 : i32 to index
        %parallel_loop3A_906 = arith.constant 112 : index
        %parallel_loop3A_907 = tpu.vector_load %arg10[%parallel_loop3A_905, %parallel_loop3A_906] {strides = array<i32>} : memref<100x128xf32, #tpu.memory_space<vmem>>, vector<1x16xf32>,
        %parallel_loop3A_908 = vector.shape_cast %parallel_loop3A_907 : vector<1x16xf32> to vector<16xf32>
        %parallel_loop3A_909 = arith.addf %parallel_loop3A_869, %parallel_loop3A_908 : vector<16xf32>
        scf.yield %parallel_loop3A_874, %parallel_loop3A_879, %parallel_loop3A_884, %parallel_loop3A_889, %parallel_loop3A_894, %parallel_loop3A_899, %parallel_loop3A_904, %parallel_loop3A_909 : vector<16xf32>, vector<16xf32>, vector<16xf32>, vector<16xf32>, vector<16xf32>, vector<16xf32>, vector<16xf32>, vector<16xf32>
      } {sc.loop_unroll_factor = 5 : i64, sc.parallel_access}
      %mul3A_690 = arith.constant 2 : i32
      %mul3A_691 = arith.muli %add3A_655, %mul3A_690 : i32
      %add3A_692 = arith.constant 0 : i32
      %add3A_693 = arith.addi %mul3A_691, %add3A_692 : i32
      %max3A_694 = arith.constant 0.000000e+00 : f32
      %max3A_695 = vector.broadcast %max3A_694 : f32 to vector<16xf32>
      %max3A_696 = arith.maximumf %parallel_loop3A_689#0, %max3A_695 : vector<16xf32>
      %swap3A_697 = arith.index_cast %add3A_693 : i32 to index
      %swap3A_698 = arith.constant 0 : index
      %swap3A_699 = tpu.vector_load %arg11[%swap3A_697, %swap3A_698] {strides = array<i32>} : memref<32x128xf32, #tpu.memory_space<vmem>>, vector<1x16xf32>,
      %swap3A_700 = vector.shape_cast %swap3A_699 : vector<1x16xf32> to vector<16xf32>
      %swap3A_701 = vector.shape_cast %max3A_696 : vector<16xf32> to vector<1x16xf32>
      tpu.vector_store %arg11[%swap3A_697, %swap3A_698], %swap3A_701 {strides = array<i32>} : memref<32x128xf32, #tpu.memory_space<vmem>>, vector<1x16xf32>,
      %max3A_702 = arith.constant 0.000000e+00 : f32
      %max3A_703 = vector.broadcast %max3A_702 : f32 to vector<16xf32>
      %max3A_704 = arith.maximumf %parallel_loop3A_689#1, %max3A_703 : vector<16xf32>
      %swap3A_705 = arith.index_cast %add3A_693 : i32 to index
      %swap3A_706 = arith.constant 16 : index
      %swap3A_707 = tpu.vector_load %arg11[%swap3A_705, %swap3A_706] {strides = array<i32>} : memref<32x128xf32, #tpu.memory_space<vmem>>, vector<1x16xf32>,
      %swap3A_708 = vector.shape_cast %swap3A_707 : vector<1x16xf32> to vector<16xf32>
      %swap3A_709 = vector.shape_cast %max3A_704 : vector<16xf32> to vector<1x16xf32>
      tpu.vector_store %arg11[%swap3A_705, %swap3A_706], %swap3A_709 {strides = array<i32>} : memref<32x128xf32, #tpu.memory_space<vmem>>, vector<1x16xf32>,
      %max3A_710 = arith.constant 0.000000e+00 : f32
      %max3A_711 = vector.broadcast %max3A_710 : f32 to vector<16xf32>
      %max3A_712 = arith.maximumf %parallel_loop3A_689#2, %max3A_711 : vector<16xf32>
      %swap3A_713 = arith.index_cast %add3A_693 : i32 to index
      %swap3A_714 = arith.constant 32 : index
      %swap3A_715 = tpu.vector_load %arg11[%swap3A_713, %swap3A_714] {strides = array<i32>} : memref<32x128xf32, #tpu.memory_space<vmem>>, vector<1x16xf32>,
      %swap3A_716 = vector.shape_cast %swap3A_715 : vector<1x16xf32> to vector<16xf32>
      %swap3A_717 = vector.shape_cast %max3A_712 : vector<16xf32> to vector<1x16xf32>
      tpu.vector_store %arg11[%swap3A_713, %swap3A_714], %swap3A_717 {strides = array<i32>} : memref<32x128xf32, #tpu.memory_space<vmem>>, vector<1x16xf32>,
      %max3A_718 = arith.constant 0.000000e+00 : f32
      %max3A_719 = vector.broadcast %max3A_718 : f32 to vector<16xf32>
      %max3A_720 = arith.maximumf %parallel_loop3A_689#3, %max3A_719 : vector<16xf32>
      %swap3A_721 = arith.index_cast %add3A_693 : i32 to index
      %swap3A_722 = arith.constant 48 : index
      %swap3A_723 = tpu.vector_load %arg11[%swap3A_721, %swap3A_722] {strides = array<i32>} : memref<32x128xf32, #tpu.memory_space<vmem>>, vector<1x16xf32>,
      %swap3A_724 = vector.shape_cast %swap3A_723 : vector<1x16xf32> to vector<16xf32>
      %swap3A_725 = vector.shape_cast %max3A_720 : vector<16xf32> to vector<1x16xf32>
      tpu.vector_store %arg11[%swap3A_721, %swap3A_722], %swap3A_725 {strides = array<i32>} : memref<32x128xf32, #tpu.memory_space<vmem>>, vector<1x16xf32>,
      %max3A_726 = arith.constant 0.000000e+00 : f32
      %max3A_727 = vector.broadcast %max3A_726 : f32 to vector<16xf32>
      %max3A_728 = arith.maximumf %parallel_loop3A_689#4, %max3A_727 : vector<16xf32>
      %swap3A_729 = arith.index_cast %add3A_693 : i32 to index
      %swap3A_730 = arith.constant 64 : index
      %swap3A_731 = tpu.vector_load %arg11[%swap3A_729, %swap3A_730] {strides = array<i32>} : memref<32x128xf32, #tpu.memory_space<vmem>>, vector<1x16xf32>,
      %swap3A_732 = vector.shape_cast %swap3A_731 : vector<1x16xf32> to vector<16xf32>
      %swap3A_733 = vector.shape_cast %max3A_728 : vector<16xf32> to vector<1x16xf32>
      tpu.vector_store %arg11[%swap3A_729, %swap3A_730], %swap3A_733 {strides = array<i32>} : memref<32x128xf32, #tpu.memory_space<vmem>>, vector<1x16xf32>,
      %max3A_734 = arith.constant 0.000000e+00 : f32
      %max3A_735 = vector.broadcast %max3A_734 : f32 to vector<16xf32>
      %max3A_736 = arith.maximumf %parallel_loop3A_689#5, %max3A_735 : vector<16xf32>
      %swap3A_737 = arith.index_cast %add3A_693 : i32 to index
      %swap3A_738 = arith.constant 80 : index
      %swap3A_739 = tpu.vector_load %arg11[%swap3A_737, %swap3A_738] {strides = array<i32>} : memref<32x128xf32, #tpu.memory_space<vmem>>, vector<1x16xf32>,
      %swap3A_740 = vector.shape_cast %swap3A_739 : vector<1x16xf32> to vector<16xf32>
      %swap3A_741 = vector.shape_cast %max3A_736 : vector<16xf32> to vector<1x16xf32>
      tpu.vector_store %arg11[%swap3A_737, %swap3A_738], %swap3A_741 {strides = array<i32>} : memref<32x128xf32, #tpu.memory_space<vmem>>, vector<1x16xf32>,
      %max3A_742 = arith.constant 0.000000e+00 : f32
      %max3A_743 = vector.broadcast %max3A_742 : f32 to vector<16xf32>
      %max3A_744 = arith.maximumf %parallel_loop3A_689#6, %max3A_743 : vector<16xf32>
      %swap3A_745 = arith.index_cast %add3A_693 : i32 to index
      %swap3A_746 = arith.constant 96 : index
      %swap3A_747 = tpu.vector_load %arg11[%swap3A_745, %swap3A_746] {strides = array<i32>} : memref<32x128xf32, #tpu.memory_space<vmem>>, vector<1x16xf32>,
      %swap3A_748 = vector.shape_cast %swap3A_747 : vector<1x16xf32> to vector<16xf32>
      %swap3A_749 = vector.shape_cast %max3A_744 : vector<16xf32> to vector<1x16xf32>
      tpu.vector_store %arg11[%swap3A_745, %swap3A_746], %swap3A_749 {strides = array<i32>} : memref<32x128xf32, #tpu.memory_space<vmem>>, vector<1x16xf32>,
      %max3A_750 = arith.constant 0.000000e+00 : f32
      %max3A_751 = vector.broadcast %max3A_750 : f32 to vector<16xf32>
      %max3A_752 = arith.maximumf %parallel_loop3A_689#7, %max3A_751 : vector<16xf32>
      %swap3A_753 = arith.index_cast %add3A_693 : i32 to index
      %swap3A_754 = arith.constant 112 : index
      %swap3A_755 = tpu.vector_load %arg11[%swap3A_753, %swap3A_754] {strides = array<i32>} : memref<32x128xf32, #tpu.memory_space<vmem>>, vector<1x16xf32>,
      %swap3A_756 = vector.shape_cast %swap3A_755 : vector<1x16xf32> to vector<16xf32>
      %swap3A_757 = vector.shape_cast %max3A_752 : vector<16xf32> to vector<1x16xf32>
      tpu.vector_store %arg11[%swap3A_753, %swap3A_754], %swap3A_757 {strides = array<i32>} : memref<32x128xf32, #tpu.memory_space<vmem>>, vector<1x16xf32>,
      %get3A_758 = arith.constant 0 : index
      %get3A_759 = tpu.vector_load %arg12[%get3A_758] {strides = array<i32>} : memref<128xf32, #tpu.memory_space<vmem>>, vector<16xf32>,
      %get3A_760 = vector.shape_cast %get3A_759 : vector<16xf32> to vector<16xf32>
      %get3A_761 = arith.constant 16 : index
      %get3A_762 = tpu.vector_load %arg12[%get3A_761] {strides = array<i32>} : memref<128xf32, #tpu.memory_space<vmem>>, vector<16xf32>,
      %get3A_763 = vector.shape_cast %get3A_762 : vector<16xf32> to vector<16xf32>
      %get3A_764 = arith.constant 32 : index
      %get3A_765 = tpu.vector_load %arg12[%get3A_764] {strides = array<i32>} : memref<128xf32, #tpu.memory_space<vmem>>, vector<16xf32>,
      %get3A_766 = vector.shape_cast %get3A_765 : vector<16xf32> to vector<16xf32>
      %get3A_767 = arith.constant 48 : index
      %get3A_768 = tpu.vector_load %arg12[%get3A_767] {strides = array<i32>} : memref<128xf32, #tpu.memory_space<vmem>>, vector<16xf32>,
      %get3A_769 = vector.shape_cast %get3A_768 : vector<16xf32> to vector<16xf32>
      %get3A_770 = arith.constant 64 : index
      %get3A_771 = tpu.vector_load %arg12[%get3A_770] {strides = array<i32>} : memref<128xf32, #tpu.memory_space<vmem>>, vector<16xf32>,
      %get3A_772 = vector.shape_cast %get3A_771 : vector<16xf32> to vector<16xf32>
      %get3A_773 = arith.constant 80 : index
      %get3A_774 = tpu.vector_load %arg12[%get3A_773] {strides = array<i32>} : memref<128xf32, #tpu.memory_space<vmem>>, vector<16xf32>,
      %get3A_775 = vector.shape_cast %get3A_774 : vector<16xf32> to vector<16xf32>
      %get3A_776 = arith.constant 96 : index
      %get3A_777 = tpu.vector_load %arg12[%get3A_776] {strides = array<i32>} : memref<128xf32, #tpu.memory_space<vmem>>, vector<16xf32>,
      %get3A_778 = vector.shape_cast %get3A_777 : vector<16xf32> to vector<16xf32>
      %get3A_779 = arith.constant 112 : index
      %get3A_780 = tpu.vector_load %arg12[%get3A_779] {strides = array<i32>} : memref<128xf32, #tpu.memory_space<vmem>>, vector<16xf32>,
      %get3A_781 = vector.shape_cast %get3A_780 : vector<16xf32> to vector<16xf32>
      %parallel_loop3A_782 = arith.constant 50 : i32
      %parallel_loop3A_783 = arith.constant 100 : i32
      %parallel_loop3A_784 = arith.constant 1 : i32
      %parallel_loop3A_785:8 = scf.for %parallel_loop3A_861 = %parallel_loop3A_782 to %parallel_loop3A_783 step %parallel_loop3A_784 iter_args(%parallel_loop3A_862 = %get3A_760, %parallel_loop3A_863 = %get3A_763, %parallel_loop3A_864 = %get3A_766, %parallel_loop3A_865 = %get3A_769, %parallel_loop3A_866 = %get3A_772, %parallel_loop3A_867 = %get3A_775, %parallel_loop3A_868 = %get3A_778, %parallel_loop3A_869 = %get3A_781) -> (vector<16xf32>, vector<16xf32>, vector<16xf32>, vector<16xf32>, vector<16xf32>, vector<16xf32>, vector<16xf32>, vector<16xf32>)  : i32 {
        %parallel_loop3A_870 = arith.index_cast %parallel_loop3A_861 : i32 to index
        %parallel_loop3A_871 = arith.constant 0 : index
        %parallel_loop3A_872 = tpu.vector_load %arg10[%parallel_loop3A_870, %parallel_loop3A_871] {strides = array<i32>} : memref<100x128xf32, #tpu.memory_space<vmem>>, vector<1x16xf32>,
        %parallel_loop3A_873 = vector.shape_cast %parallel_loop3A_872 : vector<1x16xf32> to vector<16xf32>
        %parallel_loop3A_874 = arith.addf %parallel_loop3A_862, %parallel_loop3A_873 : vector<16xf32>
        %parallel_loop3A_875 = arith.index_cast %parallel_loop3A_861 : i32 to index
        %parallel_loop3A_876 = arith.constant 16 : index
        %parallel_loop3A_877 = tpu.vector_load %arg10[%parallel_loop3A_875, %parallel_loop3A_876] {strides = array<i32>} : memref<100x128xf32, #tpu.memory_space<vmem>>, vector<1x16xf32>,
        %parallel_loop3A_878 = vector.shape_cast %parallel_loop3A_877 : vector<1x16xf32> to vector<16xf32>
        %parallel_loop3A_879 = arith.addf %parallel_loop3A_863, %parallel_loop3A_878 : vector<16xf32>
        %parallel_loop3A_880 = arith.index_cast %parallel_loop3A_861 : i32 to index
        %parallel_loop3A_881 = arith.constant 32 : index
        %parallel_loop3A_882 = tpu.vector_load %arg10[%parallel_loop3A_880, %parallel_loop3A_881] {strides = array<i32>} : memref<100x128xf32, #tpu.memory_space<vmem>>, vector<1x16xf32>,
        %parallel_loop3A_883 = vector.shape_cast %parallel_loop3A_882 : vector<1x16xf32> to vector<16xf32>
        %parallel_loop3A_884 = arith.addf %parallel_loop3A_864, %parallel_loop3A_883 : vector<16xf32>
        %parallel_loop3A_885 = arith.index_cast %parallel_loop3A_861 : i32 to index
        %parallel_loop3A_886 = arith.constant 48 : index
        %parallel_loop3A_887 = tpu.vector_load %arg10[%parallel_loop3A_885, %parallel_loop3A_886] {strides = array<i32>} : memref<100x128xf32, #tpu.memory_space<vmem>>, vector<1x16xf32>,
        %parallel_loop3A_888 = vector.shape_cast %parallel_loop3A_887 : vector<1x16xf32> to vector<16xf32>
        %parallel_loop3A_889 = arith.addf %parallel_loop3A_865, %parallel_loop3A_888 : vector<16xf32>
        %parallel_loop3A_890 = arith.index_cast %parallel_loop3A_861 : i32 to index
        %parallel_loop3A_891 = arith.constant 64 : index
        %parallel_loop3A_892 = tpu.vector_load %arg10[%parallel_loop3A_890, %parallel_loop3A_891] {strides = array<i32>} : memref<100x128xf32, #tpu.memory_space<vmem>>, vector<1x16xf32>,
        %parallel_loop3A_893 = vector.shape_cast %parallel_loop3A_892 : vector<1x16xf32> to vector<16xf32>
        %parallel_loop3A_894 = arith.addf %parallel_loop3A_866, %parallel_loop3A_893 : vector<16xf32>
        %parallel_loop3A_895 = arith.index_cast %parallel_loop3A_861 : i32 to index
        %parallel_loop3A_896 = arith.constant 80 : index
        %parallel_loop3A_897 = tpu.vector_load %arg10[%parallel_loop3A_895, %parallel_loop3A_896] {strides = array<i32>} : memref<100x128xf32, #tpu.memory_space<vmem>>, vector<1x16xf32>,
        %parallel_loop3A_898 = vector.shape_cast %parallel_loop3A_897 : vector<1x16xf32> to vector<16xf32>
        %parallel_loop3A_899 = arith.addf %parallel_loop3A_867, %parallel_loop3A_898 : vector<16xf32>
        %parallel_loop3A_900 = arith.index_cast %parallel_loop3A_861 : i32 to index
        %parallel_loop3A_901 = arith.constant 96 : index
        %parallel_loop3A_902 = tpu.vector_load %arg10[%parallel_loop3A_900, %parallel_loop3A_901] {strides = array<i32>} : memref<100x128xf32, #tpu.memory_space<vmem>>, vector<1x16xf32>,
        %parallel_loop3A_903 = vector.shape_cast %parallel_loop3A_902 : vector<1x16xf32> to vector<16xf32>
        %parallel_loop3A_904 = arith.addf %parallel_loop3A_868, %parallel_loop3A_903 : vector<16xf32>
        %parallel_loop3A_905 = arith.index_cast %parallel_loop3A_861 : i32 to index
        %parallel_loop3A_906 = arith.constant 112 : index
        %parallel_loop3A_907 = tpu.vector_load %arg10[%parallel_loop3A_905, %parallel_loop3A_906] {strides = array<i32>} : memref<100x128xf32, #tpu.memory_space<vmem>>, vector<1x16xf32>,
        %parallel_loop3A_908 = vector.shape_cast %parallel_loop3A_907 : vector<1x16xf32> to vector<16xf32>
        %parallel_loop3A_909 = arith.addf %parallel_loop3A_869, %parallel_loop3A_908 : vector<16xf32>
        scf.yield %parallel_loop3A_874, %parallel_loop3A_879, %parallel_loop3A_884, %parallel_loop3A_889, %parallel_loop3A_894, %parallel_loop3A_899, %parallel_loop3A_904, %parallel_loop3A_909 : vector<16xf32>, vector<16xf32>, vector<16xf32>, vector<16xf32>, vector<16xf32>, vector<16xf32>, vector<16xf32>, vector<16xf32>
      } {sc.loop_unroll_factor = 5 : i64, sc.parallel_access}
      %mul3A_786 = arith.constant 2 : i32
      %mul3A_787 = arith.muli %add3A_655, %mul3A_786 : i32
      %add3A_788 = arith.constant 1 : i32
      %add3A_789 = arith.addi %mul3A_787, %add3A_788 : i32
      %max3A_790 = arith.constant 0.000000e+00 : f32
      %max3A_791 = vector.broadcast %max3A_790 : f32 to vector<16xf32>
      %max3A_792 = arith.maximumf %parallel_loop3A_785#0, %max3A_791 : vector<16xf32>
      %swap3A_793 = arith.index_cast %add3A_789 : i32 to index
      %swap3A_794 = arith.constant 0 : index
      %swap3A_795 = tpu.vector_load %arg11[%swap3A_793, %swap3A_794] {strides = array<i32>} : memref<32x128xf32, #tpu.memory_space<vmem>>, vector<1x16xf32>,
      %swap3A_796 = vector.shape_cast %swap3A_795 : vector<1x16xf32> to vector<16xf32>
      %swap3A_797 = vector.shape_cast %max3A_792 : vector<16xf32> to vector<1x16xf32>
      tpu.vector_store %arg11[%swap3A_793, %swap3A_794], %swap3A_797 {strides = array<i32>} : memref<32x128xf32, #tpu.memory_space<vmem>>, vector<1x16xf32>,
      %max3A_798 = arith.constant 0.000000e+00 : f32
      %max3A_799 = vector.broadcast %max3A_798 : f32 to vector<16xf32>
      %max3A_800 = arith.maximumf %parallel_loop3A_785#1, %max3A_799 : vector<16xf32>
      %swap3A_801 = arith.index_cast %add3A_789 : i32 to index
      %swap3A_802 = arith.constant 16 : index
      %swap3A_803 = tpu.vector_load %arg11[%swap3A_801, %swap3A_802] {strides = array<i32>} : memref<32x128xf32, #tpu.memory_space<vmem>>, vector<1x16xf32>,
      %swap3A_804 = vector.shape_cast %swap3A_803 : vector<1x16xf32> to vector<16xf32>
      %swap3A_805 = vector.shape_cast %max3A_800 : vector<16xf32> to vector<1x16xf32>
      tpu.vector_store %arg11[%swap3A_801, %swap3A_802], %swap3A_805 {strides = array<i32>} : memref<32x128xf32, #tpu.memory_space<vmem>>, vector<1x16xf32>,
      %max3A_806 = arith.constant 0.000000e+00 : f32
      %max3A_807 = vector.broadcast %max3A_806 : f32 to vector<16xf32>
      %max3A_808 = arith.maximumf %parallel_loop3A_785#2, %max3A_807 : vector<16xf32>
      %swap3A_809 = arith.index_cast %add3A_789 : i32 to index
      %swap3A_810 = arith.constant 32 : index
      %swap3A_811 = tpu.vector_load %arg11[%swap3A_809, %swap3A_810] {strides = array<i32>} : memref<32x128xf32, #tpu.memory_space<vmem>>, vector<1x16xf32>,
      %swap3A_812 = vector.shape_cast %swap3A_811 : vector<1x16xf32> to vector<16xf32>
      %swap3A_813 = vector.shape_cast %max3A_808 : vector<16xf32> to vector<1x16xf32>
      tpu.vector_store %arg11[%swap3A_809, %swap3A_810], %swap3A_813 {strides = array<i32>} : memref<32x128xf32, #tpu.memory_space<vmem>>, vector<1x16xf32>,
      %max3A_814 = arith.constant 0.000000e+00 : f32
      %max3A_815 = vector.broadcast %max3A_814 : f32 to vector<16xf32>
      %max3A_816 = arith.maximumf %parallel_loop3A_785#3, %max3A_815 : vector<16xf32>
      %swap3A_817 = arith.index_cast %add3A_789 : i32 to index
      %swap3A_818 = arith.constant 48 : index
      %swap3A_819 = tpu.vector_load %arg11[%swap3A_817, %swap3A_818] {strides = array<i32>} : memref<32x128xf32, #tpu.memory_space<vmem>>, vector<1x16xf32>,
      %swap3A_820 = vector.shape_cast %swap3A_819 : vector<1x16xf32> to vector<16xf32>
      %swap3A_821 = vector.shape_cast %max3A_816 : vector<16xf32> to vector<1x16xf32>
      tpu.vector_store %arg11[%swap3A_817, %swap3A_818], %swap3A_821 {strides = array<i32>} : memref<32x128xf32, #tpu.memory_space<vmem>>, vector<1x16xf32>,
      %max3A_822 = arith.constant 0.000000e+00 : f32
      %max3A_823 = vector.broadcast %max3A_822 : f32 to vector<16xf32>
      %max3A_824 = arith.maximumf %parallel_loop3A_785#4, %max3A_823 : vector<16xf32>
      %swap3A_825 = arith.index_cast %add3A_789 : i32 to index
      %swap3A_826 = arith.constant 64 : index
      %swap3A_827 = tpu.vector_load %arg11[%swap3A_825, %swap3A_826] {strides = array<i32>} : memref<32x128xf32, #tpu.memory_space<vmem>>, vector<1x16xf32>,
      %swap3A_828 = vector.shape_cast %swap3A_827 : vector<1x16xf32> to vector<16xf32>
      %swap3A_829 = vector.shape_cast %max3A_824 : vector<16xf32> to vector<1x16xf32>
      tpu.vector_store %arg11[%swap3A_825, %swap3A_826], %swap3A_829 {strides = array<i32>} : memref<32x128xf32, #tpu.memory_space<vmem>>, vector<1x16xf32>,
      %max3A_830 = arith.constant 0.000000e+00 : f32
      %max3A_831 = vector.broadcast %max3A_830 : f32 to vector<16xf32>
      %max3A_832 = arith.maximumf %parallel_loop3A_785#5, %max3A_831 : vector<16xf32>
      %swap3A_833 = arith.index_cast %add3A_789 : i32 to index
      %swap3A_834 = arith.constant 80 : index
      %swap3A_835 = tpu.vector_load %arg11[%swap3A_833, %swap3A_834] {strides = array<i32>} : memref<32x128xf32, #tpu.memory_space<vmem>>, vector<1x16xf32>,
      %swap3A_836 = vector.shape_cast %swap3A_835 : vector<1x16xf32> to vector<16xf32>
      %swap3A_837 = vector.shape_cast %max3A_832 : vector<16xf32> to vector<1x16xf32>
      tpu.vector_store %arg11[%swap3A_833, %swap3A_834], %swap3A_837 {strides = array<i32>} : memref<32x128xf32, #tpu.memory_space<vmem>>, vector<1x16xf32>,
      %max3A_838 = arith.constant 0.000000e+00 : f32
      %max3A_839 = vector.broadcast %max3A_838 : f32 to vector<16xf32>
      %max3A_840 = arith.maximumf %parallel_loop3A_785#6, %max3A_839 : vector<16xf32>
      %swap3A_841 = arith.index_cast %add3A_789 : i32 to index
      %swap3A_842 = arith.constant 96 : index
      %swap3A_843 = tpu.vector_load %arg11[%swap3A_841, %swap3A_842] {strides = array<i32>} : memref<32x128xf32, #tpu.memory_space<vmem>>, vector<1x16xf32>,
      %swap3A_844 = vector.shape_cast %swap3A_843 : vector<1x16xf32> to vector<16xf32>
      %swap3A_845 = vector.shape_cast %max3A_840 : vector<16xf32> to vector<1x16xf32>
      tpu.vector_store %arg11[%swap3A_841, %swap3A_842], %swap3A_845 {strides = array<i32>} : memref<32x128xf32, #tpu.memory_space<vmem>>, vector<1x16xf32>,
      %max3A_846 = arith.constant 0.000000e+00 : f32
      %max3A_847 = vector.broadcast %max3A_846 : f32 to vector<16xf32>
      %max3A_848 = arith.maximumf %parallel_loop3A_785#7, %max3A_847 : vector<16xf32>
      %swap3A_849 = arith.index_cast %add3A_789 : i32 to index
      %swap3A_850 = arith.constant 112 : index
      %swap3A_851 = tpu.vector_load %arg11[%swap3A_849, %swap3A_850] {strides = array<i32>} : memref<32x128xf32, #tpu.memory_space<vmem>>, vector<1x16xf32>,
      %swap3A_852 = vector.shape_cast %swap3A_851 : vector<1x16xf32> to vector<16xf32>
      %swap3A_853 = vector.shape_cast %max3A_848 : vector<16xf32> to vector<1x16xf32>
      tpu.vector_store %arg11[%swap3A_849, %swap3A_850], %swap3A_853 {strides = array<i32>} : memref<32x128xf32, #tpu.memory_space<vmem>>, vector<1x16xf32>,
      %add3A_854 = arith.constant 4 : i32
      %add3A_855 = arith.addi %add3A_655, %add3A_854 : i32
      %lt3A_856 = arith.constant 16 : i32
      %lt3A_857 = arith.cmpi slt, %add3A_855, %lt3A_856 : i32
      %convert_element_type3A_858 = arith.extui %lt3A_857 : i1 to i32
      %cond3A_859 = arith.constant 0 : i32
      %cond3A_860 = arith.cmpi ne, %convert_element_type3A_858, %cond3A_859 : i32
      scf.if %cond3A_860 {
        %add3A_861 = arith.constant 4 : i32
        %add3A_862 = arith.addi %add3A_655, %add3A_861 : i32
        %dma_start3A_863 = arith.constant 0 : i32
        %dma_start3A_864 = tpu.memref_slice %arg6[%add3A_862, %dma_start3A_863] : memref<16x100xi32, #tpu.memory_space<vmem>> -> memref<1x100xi32, #tpu.memory_space<vmem>>
        %dma_start3A_865 = tpu.memref_squeeze %dma_start3A_864 : memref<1x100xi32, #tpu.memory_space<vmem>> -> memref<100xi32, #tpu.memory_space<vmem>>
        %dma_start3A_866 = arith.constant 0 : i32
        %dma_start3A_867 = arith.constant 0 : i32
        %dma_start3A_868 = tpu.memref_slice %arg3[%dma_start3A_866, %dma_start3A_867] : memref<100000x128xf32, #tpu.memory_space<hbm>> -> memref<100000x128xf32, #tpu.memory_space<hbm>>
        tpu.enqueue_indirect_dma source(%dma_start3A_868 : memref<100000x128xf32, #tpu.memory_space<hbm>>) target(%arg10 : memref<100x128xf32, #tpu.memory_space<vmem>>) offsets(%dma_start3A_865 : memref<100xi32, #tpu.memory_space<vmem>>) semaphore(%arg16 : memref<!tpu.dma_semaphore, #tpu.memory_space<semaphore_mem>>)
      } else {
      }
    }
    %scan3A_35 = arith.constant 4 : i32
    "tpu.region"() ({
      %run_scoped3A = tpu.sem_alloc : memref<!tpu.dma_semaphore, #tpu.memory_space<semaphore_mem>>
      %dma_start3A_36 = arith.constant 0 : i32
      %dma_start3A_37 = tpu.memref_slice %arg5[%mul3A_2, %dma_start3A_36] : memref<1024x128xf32, #tpu.memory_space<hbm>> -> memref<32x128xf32, #tpu.memory_space<hbm>>
      %dma_start3A_38 = arith.constant 0 : i32
      %dma_start3A_39 = tpu.memref_slice %arg5[%mul3A_2, %dma_start3A_38] : memref<1024x128xf32, #tpu.memory_space<hbm>> -> memref<32x128xf32, #tpu.memory_space<hbm>>
      tpu.enqueue_dma source(%arg11 : memref<32x128xf32, #tpu.memory_space<vmem>>) target(%dma_start3A_39 : memref<32x128xf32, #tpu.memory_space<hbm>>) target_semaphore(%run_scoped3A : memref<!tpu.dma_semaphore, #tpu.memory_space<semaphore_mem>>)
      %dma_wait3A = arith.constant 0 : i32
      %dma_wait3A_40 = tpu.memref_slice %arg5[%mul3A_2, %dma_wait3A] : memref<1024x128xf32, #tpu.memory_space<hbm>> -> memref<32x128xf32, #tpu.memory_space<hbm>>
      %dma_wait3A_41 = arith.constant 0 : i32
      %dma_wait3A_42 = tpu.memref_slice %arg5[%mul3A_2, %dma_wait3A_41] : memref<1024x128xf32, #tpu.memory_space<hbm>> -> memref<32x128xf32, #tpu.memory_space<hbm>>
      tpu.wait_dma2 semaphore(%run_scoped3A : memref<!tpu.dma_semaphore, #tpu.memory_space<semaphore_mem>>) src(%arg11 : memref<32x128xf32, #tpu.memory_space<vmem>>) dst(%dma_wait3A_42 : memref<32x128xf32, #tpu.memory_space<hbm>>)
      tpu.yield
    }) : () -> ()
    return
  }
}

</mosaic_0001>

<sc_bundles>
// kernel: kernel.3.cloned.1.call-start
scs
__scs_entry_jumppad:
0x0: {  	(pc) =	sbr.rel $0x88, $3  }
0x1: {  	(tag) =	ssettag $0x0;
	lr =	simm.s32 $0x1  }
0x2: {  	[smem:$0x3F9E] =	sst lr;
	_ =	strace $0xD0000000  }
0x3: {  	_ = 	snop  }
0x4: {  	_ = 	snop  }
0x5: {  	_ = 	snop  }
0x6: {  	_ = 	snop  }
0x7: {  	_ = 	snop  }
__scs_overlays_trampoline_lowered:
0x8: {  	[smem:$0x3FAD] =	sst s0  }
0x9: {  	[smem:$0x3FAE] =	sst s1  }
0xa: {  	[smem:$0x3FAF] =	sst s2  }
0xb: {  	[smem:$0x3FB0] =	sst s3  }
0xc: {  	[smem:$0x3FB1] =	sst s4  }
0xd: {  	[smem:$0x3FB2] =	sst s5  }
0xe: {  	[smem:$0x3FB3] =	sst s6  }
0xf: {  	[smem:$0x3FB4] =	sst s7  }
0x10: {  	[smem:$0x3FB5] =	sst s8  }
0x11: {  	[smem:$0x3FB6] =	sst s9;
	s0 =	simm.s32 @!p0 $0x0  }
0x12: {  	s1 =	sld [smem:$0x3F9C];
	s0 =	simm.s32 @p0 $0x1  }
0x13: {  	[smem:$0x3FB7] =	sst s0;
	s0 =	simm.s32 @!p1 $0x0  }
0x14: {  	s2 =	sld [smem:$0x3F9B];
	s0 =	simm.s32 @p1 $0x1  }
0x15: {  	[smem:$0x3FB8] =	sst s0;
	s0 =	simm.s32 @!p2 $0x0  }
0x16: {  	s3 =	sld [smem:$0x3FDB];
	s0 =	simm.s32 @p2 $0x1  }
0x17: {  	s4 =	simm.s32 $0x1BF5;
	[smem:$0x3FBA] =	sst s0  }
0x18: {  	s0 =	sld [smem:$0x3F9D];
	_ =	swait.ge [sflag:s4], $0x0  }
0x19: {  	s7 =	sld [smem:$0x3F9E]  }
0x1a: {  	s8 =	sadd.s32 $0xFFFFE003, lr  }
0x1b: {  	s9 =	sadd.s32 $0xFFFFFEF7, lr;
	s5 =	simm.s32 $0xFFFFFFFF;
	p2 =	slt.u32 s8, $0xFFFFF086  }
0x1c: {  	p1 =	slt.u32 s9, $0xF7A;
	s5 =	simm.s32 @!p2 $0x0  }
0x1d: {  	s5 =	simm.s32 @p1 $0x1;
	p0 =	seq.s32 s7, s2  }
0x1e: {  	s7 =	smul.u32 @!p0 $0xF7A, s2;
	p2 =	seq.s32 @!p0 s5, $0x0  }
0x1f: {  	s9 =	smul.u32 $0xF7A, s1;
	s8 =	simm.s32 @!p0 $0x1BF5;
	p2 =	por !p2, p0  }
0x20: {  	[sflag:s8] =	ssyncset.s32 @!p0 $0xFFFFF086;
	s6 =	sadd.s32 @!p0 s3, s7;
	s7 =	simm.s32 @!p0 $0x108  }
0x21: {  	s3 =	sadd.s32 s3, s9;
	s6 =	sadd.s32 @!p0 $0x88, s6;
	s7 =	simm.s32 @p2 $0x1082  }
0x22: {  	[simem:s7], [sflag:s8] =	dma.local @!p0 [hbm:s6], $0xF7A  }
0x23: {  	s9 =	sor.u32 $0xD0000000, s2;
	s6 =	simm.s32 $0x108;
	_ =	swait.ge @!p0 [sflag:s8], $0x0  }
0x24: {  	s3 =	sadd.s32 $0x88, s3;
	s6 =	simm.s32 @!p1 $0x1082;
	[sflag:s4] =	ssyncset.s32 $0xFFFFF086  }
0x25: {  	[simem:s6], [sflag:s4] =	dma.local [hbm:s3], $0xF7A  }
0x26: {  	[smem:$0x3F9E] =	sst s1;
	(tag) =	ssettag s2;
	_ =	strace s9  }
0x27: {  	s1 =	sld [smem:$0x3FAE]  }
0x28: {  	s2 =	sld [smem:$0x3FAF]  }
0x29: {  	s4 =	sld [smem:$0x3FB1]  }
0x2a: {  	p0 =	seq.s32 s5, $0x0;
	s5 =	sld [smem:$0x3FB2]  }
0x2b: {  	s6 =	sld [smem:$0x3FB3]  }
0x2c: {  	s7 =	sld [smem:$0x3FB4]  }
0x2d: {  	s3 =	simm.s32 $0x108;
	s8 =	sld [smem:$0x3FB5]  }
0x2e: {  	s3 =	simm.s32 @!p0 $0x1082;
	s9 =	sld [smem:$0x3FB6]  }
0x2f: {  	lr =	sadd.s32 s0, s3;
	s0 =	sld [smem:$0x3FAD]  }
0x30: {  	s3 =	sld [smem:$0x3FB0]  }
0x31: {  	[smem:$0x3FB9] =	sst s10  }
0x32: {  	s10 =	sld [smem:$0x3FB7];
	_ =	sdelay $0x3  }
0x33: {  	p0 =	seq.s32 s10, $0x1;
	s10 =	sld [smem:$0x3FB9];
	_ =	sdelay $0x3  }
0x34: {  	[smem:$0x3FB9] =	sst s10  }
0x35: {  	s10 =	sld [smem:$0x3FB8];
	_ =	sdelay $0x3  }
0x36: {  	p1 =	seq.s32 s10, $0x1;
	s10 =	sld [smem:$0x3FB9];
	_ =	sdelay $0x3  }
0x37: {  	[smem:$0x3FB9] =	sst s10  }
0x38: {  	s10 =	sld [smem:$0x3FBA]  }
0x39: {  	_ = 	snop;
	(pc) =	sbr.ind lr, $3  }
0x3a: {  	_ = 	snop  }
0x3b: {  	_ = 	snop  }
0x3c: {  	p2 =	seq.s32 s10, $0x1;
	s10 =	sld [smem:$0x3FB9]  }
0x3d: {  	_ =	shalt  }
0x3e: {  	_ =	shalt  }
0x3f: {  	_ =	shalt  }
0x40: {  	_ =	shalt  }
0x41: {  	_ =	shalt  }
0x42: {  	_ =	shalt  }
0x43: {  	_ =	shalt  }
0x44: {  	_ =	shalt  }
0x45: {  	_ =	shalt  }
0x46: {  	_ =	shalt  }
0x47: {  	_ =	shalt  }
0x48: {  	_ =	shalt  }
0x49: {  	_ =	shalt  }
0x4a: {  	_ =	shalt  }
0x4b: {  	_ =	shalt  }
0x4c: {  	_ =	shalt  }
0x4d: {  	_ =	shalt  }
0x4e: {  	_ =	shalt  }
0x4f: {  	_ =	shalt  }
0x50: {  	_ =	shalt  }
0x51: {  	_ =	shalt  }
0x52: {  	_ =	shalt  }
0x53: {  	_ =	shalt  }
0x54: {  	_ =	shalt  }
0x55: {  	_ =	shalt  }
0x56: {  	_ =	shalt  }
0x57: {  	_ =	shalt  }
0x58: {  	_ =	shalt  }
0x59: {  	_ =	shalt  }
0x5a: {  	_ =	shalt  }
0x5b: {  	_ =	shalt  }
0x5c: {  	_ =	shalt  }
0x5d: {  	_ =	shalt  }
0x5e: {  	_ =	shalt  }
0x5f: {  	_ =	shalt  }
0x60: {  	_ =	shalt  }
0x61: {  	_ =	shalt  }
0x62: {  	_ =	shalt  }
0x63: {  	_ =	shalt  }
0x64: {  	_ =	shalt  }
0x65: {  	_ =	shalt  }
0x66: {  	_ =	shalt  }
0x67: {  	_ =	shalt  }
0x68: {  	_ =	shalt  }
0x69: {  	_ =	shalt  }
0x6a: {  	_ =	shalt  }
0x6b: {  	_ =	shalt  }
0x6c: {  	_ =	shalt  }
0x6d: {  	_ =	shalt  }
0x6e: {  	_ =	shalt  }
0x6f: {  	_ =	shalt  }
0x70: {  	_ =	shalt  }
0x71: {  	_ =	shalt  }
0x72: {  	_ =	shalt  }
0x73: {  	_ =	shalt  }
0x74: {  	_ =	shalt  }
0x75: {  	_ =	shalt  }
0x76: {  	_ =	shalt  }
0x77: {  	_ =	shalt  }
0x78: {  	_ =	shalt  }
0x79: {  	_ =	shalt  }
0x7a: {  	_ =	shalt  }
0x7b: {  	_ =	shalt  }
0x7c: {  	_ =	shalt  }
0x7d: {  	_ =	shalt  }
0x7e: {  	_ =	shalt  }
0x7f: {  	_ =	shalt  }
0x80: {  	_ =	shalt  }
0x81: {  	_ =	shalt  }
0x82: {  	_ =	shalt  }
0x83: {  	_ =	shalt  }
0x84: {  	_ =	shalt  }
0x85: {  	_ =	shalt  }
0x86: {  	_ =	shalt  }
0x87: {  	_ =	shalt  }
.Lfunc_end0:
.L_simem_size_0:
called_computation_lowered:
.L_overlay_start_0:
0x88: {  	s2 =	sld [smem:$0x3FD9]  }
0x89: {  	s3 =	sld [smem:$0x3FFE];
	_ =	sdelay $0x1  }
0x8a: {  	s1 =	srdreg.scid  }
0x8b: {  	s0 =	sand.u32 $0x1, s1  }
0x8c: {  	s17 =	sshll.u32 s0, $0xA;
	s2 =	sadd.s32 s3, s2  }
0x8d: {  	s2 =	sadd.s32 s2, s17  }
0x8e: {  	[smem:$0x3FC5] =	sst s2  }
0x8f: {  	_ = 	snop  }
0x90: {  	s2 =	sld [smem:$0x3FC8]  }
0x91: {  	s18 =	sld [smem:$0x3FC7]  }
0x92: {  	s4 =	sld [smem:$0x3FD0];
	(tm) =	ssettm $0x1  }
0x93: {  	s5 =	sld [smem:$0x3FFB];
	_ =	sdelay $0x3  }
0x94: {  	_ =	strace s5  }
0x95: {  	s5 =	sld [smem:$0x3FFC];
	_ =	sdelay $0x3  }
0x96: {  	_ =	strace s5  }
0x97: {  	s5 =	sld [smem:$0x3FFD];
	_ =	sdelay $0x3  }
0x98: {  	_ =	strace s5  }
0x99: {  	_ =	strace $0x8FFFFFFF  }
0x9a: {  	s19 =	sld [smem:$0x3FDB];
	_ =	sdelay $0x1  }
0x9b: {  	s6 =	simm.s32 $_scs_section_size  }
0x9c: {  	s7 =	simm.s32 $_size__tile_overlayer_lowered;
	s8 =	simm.s32 $_tile_overlayer_lowered  }
0x9d: {  	s22 =	simm.s32 $0x1BFF;
	s21 =	sshll.u32 s8, $0x1;
	s5 =	sadd.s32 s6, s19  }
0x9e: {  	s9 =	simm.s32 $0x0;
	s20 =	sshll.u32 s7, $0x1;
	s7 =	sadd.s32 s21, s5  }
0x9f: {  	[timem:s9], [sflag:s22] =	dma.local [hbm:s7], s20  }
0xa0: {  	_ =	swait.ge [sflag:s22], s20  }
0xa1: {  	s6 =	ssub.s32 $0x0, s20;
	[sflag:s22] =	ssyncset.done $0x0  }
0xa2: {  	[sflag:s22] =	ssyncadd.s32 s6;
	_ =	sdelay $0x1  }
0xa3: {  	s23 =	simm.s32 $0x1B8B  }
0xa4: {  	_ =	swait.ge [sflag:s23], $0x1  }
0xa5: {  	[sflag:s23] =	ssyncset.done $0x0  }
0xa6: {  	s25 =	simm.s32 $0x1B8E;
	s24 =	sld [smem:$0x3FFE];
	[sflag:s23] =	ssyncadd.s32 $0xFFFFFFFF  }
0xa7: {  	s26 =	simm.s32 $execute0_lowered;
	[smem:$0x3FD2] =	sst s25  }
0xa8: {  	s7 =	sshll.u32 s26, $0x1;
	_ =	strace $0x80000046;
	[dreg:$0x1] =	wrdreg $0xFFFFFFFF  }
0xa9: {  	s28 =	simm.s32 $_size_execute0_lowered;
	s5 =	sadd.s32 s5, s7;
	[dreg:$0x0] =	wrdreg $0x0  }
0xaa: {  	s7 =	sshll.u32 s28, $0x1;
	[dreg:$0x2] =	wrdreg s5  }
0xab: {  	[dreg:$0x3] =	wrdreg s7  }
0xac: {  	[dreg:$0x4] =	wrdreg $0xC0  }
0xad: {  	_ =	task [dreg:s9], $0x5FFFF  }
0xae: {  	[dreg:$0x1] =	wrdreg $0xFFFFFFFF  }
0xaf: {  	[dreg:$0x0] =	wrdreg $0x60  }
0xb0: {  	[dreg:$0x2] =	wrdreg s24  }
0xb1: {  	[dreg:$0x3] =	wrdreg s2  }
0xb2: {  	[dreg:$0x4] =	wrdreg s18  }
0xb3: {  	[dreg:$0x5] =	wrdreg s4  }
0xb4: {  	[dreg:$0x6] =	wrdreg $0x9  }
0xb5: {  	_ =	task.clear_ibuf [dreg:s9], $0x7FFFF;
	_ =	strace $0x90000046  }
0xb6: {  	s29 =	simm.s32 $0x9;
	_ =	strace $0x80000048  }
0xb7: {  	_ =	swait.ge [sflag:s29], $0x1  }
0xb8: {  	[sflag:s29] =	ssyncadd.s32 $0xFFFFFFFF  }
0xb9: {  	_ =	strace $0x90000048  }
0xba: {  	_ =	sfence  }
0xbb: {  	s30 =	sld [smem:$0x0];
	_ =	sdelay $0x2  }
0xbc: {  	s31 =	sshll.u32 s1, $0xD;
	s1 =	sshrl.u32 s1, $0x2  }
0xbd: {  	s3 =	sand.u32 $0x4000, s31;
	s1 =	sadd.s32 s1, s30  }
0xbe: {  	s0 =	sor.u32 s3, s0;
	s1 =	sshll.u32 s1, $0x11  }
0xbf: {  	s0 =	sor.u32 s1, s0  }
0xc0: {  	s0 =	sadd.s32 $0x8F2B, s0  }
0xc1: {  	[sflag:s0] =	ssyncadd.remote.s32 $0x1  }
0xc2: {  	_ =	sfence.sel $0xFFFF  }
0xc3: {  	[dreg:$0x0] =	wrdreg $0xFFFFFFFF;
	(pc) =	sbr.abs _section_cstart, $3  }
0xc4: {  	[dreg:$0x1] =	wrdreg $0xFFFFFFFF  }
0xc5: {  	_ =	task.clear_ibuf [dreg:s9], $0x2FFFF;
	_ =	strace $0x9FFFFFFF  }
0xc6: {  	(tm) =	ssettm $0x7FFFFFFF  }
0xc7: {  	_ =	shalt  }
tec
execute0_lowered:
.L_overlay_start_1:
0x0: {  	(tag) =	ssettag $0x1  }
0x1: {  	s5 =	rddreg [dreg:$0x0]  }
0x2: {  	s1 =	rddreg [dreg:$0x1]  }
0x3: {  	s3 =	rddreg [dreg:$0x2];
	s2 =	srdreg.scid  }
0x4: {  	s0 =	stileid.u32;
	s6 =	rddreg [dreg:$0x3]  }
0x5: {  	s4 =	simm.s32 $0x0;
	s10 =	simm.s32 $0x64;
	s11 =	simm.s32 $0x800  }
0x6: {  	s12 =	simm.s32 $0x80;
	s13 =	simm.s32 $0x3C00;
	s14 =	simm.s32 $0x100  }
0x7: {  	s15 =	simm.s32 $0x7000;
	s16 =	simm.s32 $0x180;
	s17 =	simm.s32 $0xA400  }
0x8: {  	s18 =	simm.s32 $0x1;
	s19 =	simm.s32 $0x2;
	s20 =	simm.s32 $0x3  }
0x9: {  	s21 =	simm.s32 $0x4;
	s22 =	simm.s32 $0xD800;
	s23 =	simm.s32 $0x0  }
0xa: {  	s7 =	sand.u32 $0x1, s2;
	s8 =	sshll.u32 s0, $0x1;
	s2 =	rddreg [dreg:$0x4]  }
.Ltmp0:
0xb: {  	[smem:$0x7FF] =	sst s4;
	s8 =	sor.u32 s7, s8;
	(pc) =	sbr.rel .LBB2_1-.Ltmp0, $4  }
0xc: {  	s7 =	ssub.s32 $0x2, s7;
	_ =	strace $0x80000047;
	s9 =	sshll.u32 s8, $0x8  }
0xd: {  	s31 =	sshrl.u32 s7, $0x1;
	s8 =	sshll.u32 s8, $0x9;
	s5 =	sadd.s32 s9, s5  }
0xe: {  	s7 =	ssub.s32 s7, s31;
	s6 =	sadd.s32 s6, s8;
	s8 =	simm.s32 $0xE800  }
0xf: {  	s9 =	simm.s32 $0x5;
	s5 =	sadd.s32 $0x400, s5;
	s7 =	smax.u32 s7, $0x1  }
.LBB2_20:
0x10: {  	s23 =	sadd.s32 $0x1, s23  }
0x11: {  	p0 =	sne.s32 s23, s7  }
.Ltmp1:
0x12: {  	_ = 	snop;
	(pc) =	sbr.rel @!p0 .LBB2_21-.Ltmp1, $4  }
0x13: {  	[hbm4b:s6+s4] =	stream.linear.scatter [tilespmem:s22], [sflag:$0x5], $0x1000, $0x38;
	[tilespmem:$0xE880] =	vst v63  }
0x14: {  	_ =	swait.ge [sflag:s9], $0x1000  }
0x15: {  	[sflag:s9] =	ssyncset.done $0x0  }
0x16: {  	[sflag:s9] =	ssyncadd.s32 $0xFFFFF000  }
.LBB2_1:
0x17: {  	[tilespmem:s8], [sflag:$0x5] =	stream.linear.gather [hbm4b:s3+s4], $0x80, $0x38;
	[tilespmem:$0xE880] =	vst v63  }
0x18: {  	_ =	swait.ge [sflag:s9], $0x80  }
0x19: {  	[sflag:s9] =	ssyncset.done $0x0  }
0x1a: {  	[sflag:s9] =	ssyncadd.s32 $0xFFFFFF80  }
0x1b: {  	[tilespmem:s4], [sflag:$0x5] =	stream.linear.gather [hbm4b:s5+s4], $0x800, $0x38;
	[tilespmem:$0xE880] =	vst v63  }
0x1c: {  	_ =	swait.ge [sflag:s9], $0x800  }
0x1d: {  	[sflag:s9] =	ssyncset.done $0x0  }
0x1e: {  	[sflag:s9] =	ssyncadd.s32 $0xFFFFF800  }
0x1f: {  	[tilespmem:s11], [sflag:$0x1] =	stream.indirect.gather [hbm4b:s1+s10], $0x80, s4, s10, $0xb8;
	[tilespmem:$0xE880] =	vst v63  }
0x20: {  	_ = 	snop  }
0x21: {  	[tilespmem:s13], [sflag:$0x2] =	stream.indirect.gather [hbm4b:s1+s10], $0x80, s12, s10, $0xb8;
	[tilespmem:$0xE880] =	vst v63  }
0x22: {  	_ = 	snop  }
0x23: {  	[tilespmem:s15], [sflag:$0x3] =	stream.indirect.gather [hbm4b:s1+s10], $0x80, s14, s10, $0xb8;
	[tilespmem:$0xE880] =	vst v63  }
0x24: {  	s24 =	simm.s32 $0x0  }
0x25: {  	[tilespmem:s17], [sflag:$0x4] =	stream.indirect.gather [hbm4b:s1+s10], $0x80, s16, s10, $0xb8;
	[tilespmem:$0xE880] =	vst v63  }
.LBB2_2:
0x26: {  	_ =	swait.ge [sflag:s18], $0x3200  }
0x27: {  	[sflag:s18] =	ssyncset.done $0x0  }
0x28: {  	[sflag:s18] =	ssyncadd.s32 $0xFFFFCE00  }
0x29: {  	v7 =	vld [tilespmem:$0xE800]  }
0x2a: {  	v10 =	vld [tilespmem:$0xE810]  }
0x2b: {  	v5 =	vld [tilespmem:$0xE820]  }
0x2c: {  	v4 =	vld [tilespmem:$0xE830]  }
0x2d: {  	v3 =	vld [tilespmem:$0xE840]  }
0x2e: {  	v2 =	vld [tilespmem:$0xE850]  }
0x2f: {  	v1 =	vld [tilespmem:$0xE860]  }
0x30: {  	s28 =	simm.s32 $0x0;
	v0 =	vld [tilespmem:$0xE870]  }
0x31: {  	v6 =	vld [tilespmem:s28+$0x870]  }
0x32: {  	v9 =	vld [tilespmem:s28+$0x800]  }
0x33: {  	v13 =	vld [tilespmem:s28+$0x810]  }
0x34: {  	v12 =	vld [tilespmem:s28+$0x820]  }
0x35: {  	v11 =	vld [tilespmem:s28+$0x830]  }
0x36: {  	v8 =	vld [tilespmem:s28+$0x840]  }
0x37: {  	v0 =	vadd.f32 v6, v0;
	v6 =	vld [tilespmem:s28+$0x850]  }
0x38: {  	s25 =	simm.s32 $0x80;
	s26 =	simm.s32 $0x400;
	v9 =	vadd.f32 v9, v7;
	v10 =	vadd.f32 v13, v10;
	v7 =	vld [tilespmem:s28+$0x860]  }
.LBB2_3:
0x39: {  	p0 =	sne.s32 s26, $0x6200;
	v13 =	vld [tilespmem:s25+$0x870];
	v5 =	vadd.f32 v12, v5  }
0x3a: {  	v14 =	vld [tilespmem:s25+$0x800];
	v4 =	vadd.f32 v11, v4  }
0x3b: {  	v15 =	vld [tilespmem:s25+$0x810];
	v3 =	vadd.f32 v8, v3  }
.Ltmp2:
0x3c: {  	v12 =	vld [tilespmem:s25+$0x820];
	v2 =	vadd.f32 v6, v2;
	(pc) =	sbr.rel @p0 .LBB2_3-.Ltmp2, $4  }
0x3d: {  	v11 =	vld [tilespmem:s25+$0x830];
	v1 =	vadd.f32 v7, v1  }
0x3e: {  	v8 =	vld [tilespmem:s25+$0x840];
	v0 =	vadd.f32 v13, v0  }
0x3f: {  	v9 =	vadd.f32 v14, v9;
	v6 =	vld [tilespmem:s25+$0x850]  }
0x40: {  	v10 =	vadd.f32 v15, v10;
	v7 =	vld [tilespmem:s25+$0x860];
	s25 =	sshra.s32 s26, $0x2;
	s26 =	sadd.s32 $0x200, s26  }
0x41: {  	v13 =	vld [tilespmem:s25+$0x800]  }
0x42: {  	v14 =	vld [tilespmem:s25+$0x810]  }
0x43: {  	v15 =	vld [tilespmem:s25+$0x820]  }
0x44: {  	v16 =	vld [tilespmem:s25+$0x830]  }
0x45: {  	v17 =	vld [tilespmem:s25+$0x840]  }
0x46: {  	v5 =	vadd.f32 v12, v5;
	v12 =	vld [tilespmem:s25+$0x850];
	v9 =	vadd.f32 v13, v9  }
0x47: {  	s26 =	sshll.u32 s24, $0xC;
	v4 =	vadd.f32 v11, v4;
	v11 =	vld [tilespmem:s25+$0x860];
	v10 =	vadd.f32 v14, v10  }
0x48: {  	v3 =	vadd.f32 v8, v3;
	v8 =	vld [tilespmem:s25+$0x870];
	s25 =	sshra.s32 s26, $0x2;
	v5 =	vadd.f32 v15, v5;
	v9 =	vmax.f32 v9, $0.0e+00  }
0x49: {  	v2 =	vadd.f32 v6, v2;
	v4 =	vadd.f32 v16, v4;
	v6 =	vmax.f32 v10, $0.0e+00;
	[tilespmem:s25+$0xD800] =	vst v9  }
0x4a: {  	v1 =	vadd.f32 v7, v1;
	v3 =	vadd.f32 v17, v3;
	v5 =	vmax.f32 v5, $0.0e+00;
	[tilespmem:s25+$0xD810] =	vst v6  }
0x4b: {  	v2 =	vadd.f32 v12, v2;
	v4 =	vmax.f32 v4, $0.0e+00;
	[tilespmem:s25+$0xD820] =	vst v5  }
0x4c: {  	v1 =	vadd.f32 v11, v1;
	v3 =	vmax.f32 v3, $0.0e+00;
	[tilespmem:s25+$0xD830] =	vst v4  }
0x4d: {  	v0 =	vadd.f32 v8, v0;
	v2 =	vmax.f32 v2, $0.0e+00;
	[tilespmem:s25+$0xD840] =	vst v3  }
0x4e: {  	[tilespmem:s25+$0xD850] =	vst v2;
	v1 =	vmax.f32 v1, $0.0e+00  }
0x4f: {  	[tilespmem:s25+$0xD860] =	vst v1;
	v0 =	vmax.f32 v0, $0.0e+00  }
0x50: {  	[tilespmem:s25+$0xD870] =	vst v0  }
0x51: {  	v8 =	vld [tilespmem:$0xE800]  }
0x52: {  	v10 =	vld [tilespmem:$0xE810]  }
0x53: {  	v5 =	vld [tilespmem:$0xE820]  }
0x54: {  	v4 =	vld [tilespmem:$0xE830]  }
0x55: {  	v3 =	vld [tilespmem:$0xE840]  }
0x56: {  	v2 =	vld [tilespmem:$0xE850]  }
0x57: {  	v1 =	vld [tilespmem:$0xE860]  }
0x58: {  	s29 =	simm.s32 $0x0;
	v0 =	vld [tilespmem:$0xE870]  }
0x59: {  	v6 =	vld [tilespmem:s29+$0x2170]  }
0x5a: {  	v9 =	vld [tilespmem:s29+$0x2100]  }
0x5b: {  	v13 =	vld [tilespmem:s29+$0x2110]  }
0x5c: {  	v12 =	vld [tilespmem:s29+$0x2120]  }
0x5d: {  	v11 =	vld [tilespmem:s29+$0x2130]  }
0x5e: {  	v7 =	vld [tilespmem:s29+$0x2140]  }
0x5f: {  	v0 =	vadd.f32 v6, v0;
	v6 =	vld [tilespmem:s29+$0x2150]  }
0x60: {  	s28 =	simm.s32 $0x400;
	s26 =	simm.s32 $0x80;
	v9 =	vadd.f32 v9, v8;
	v10 =	vadd.f32 v13, v10;
	v8 =	vld [tilespmem:s29+$0x2160]  }
.LBB2_5:
0x61: {  	p0 =	sne.s32 s28, $0x6200;
	v13 =	vld [tilespmem:s26+$0x2170];
	v5 =	vadd.f32 v12, v5  }
0x62: {  	v14 =	vld [tilespmem:s26+$0x2100];
	v4 =	vadd.f32 v11, v4  }
0x63: {  	v15 =	vld [tilespmem:s26+$0x2110];
	v3 =	vadd.f32 v7, v3  }
.Ltmp3:
0x64: {  	v12 =	vld [tilespmem:s26+$0x2120];
	v2 =	vadd.f32 v6, v2;
	(pc) =	sbr.rel @p0 .LBB2_5-.Ltmp3, $4  }
0x65: {  	v11 =	vld [tilespmem:s26+$0x2130];
	v1 =	vadd.f32 v8, v1  }
0x66: {  	v7 =	vld [tilespmem:s26+$0x2140];
	v0 =	vadd.f32 v13, v0  }
0x67: {  	v9 =	vadd.f32 v14, v9;
	v6 =	vld [tilespmem:s26+$0x2150]  }
0x68: {  	v10 =	vadd.f32 v15, v10;
	v8 =	vld [tilespmem:s26+$0x2160];
	s26 =	sshra.s32 s28, $0x2;
	s28 =	sadd.s32 $0x200, s28  }
0x69: {  	v13 =	vld [tilespmem:s26+$0x2100]  }
0x6a: {  	v14 =	vld [tilespmem:s26+$0x2110]  }
0x6b: {  	v15 =	vld [tilespmem:s26+$0x2120]  }
0x6c: {  	v16 =	vld [tilespmem:s26+$0x2130]  }
0x6d: {  	v17 =	vld [tilespmem:s26+$0x2140]  }
0x6e: {  	v5 =	vadd.f32 v12, v5;
	v12 =	vld [tilespmem:s26+$0x2150];
	v9 =	vadd.f32 v13, v9  }
0x6f: {  	v4 =	vadd.f32 v11, v4;
	v11 =	vld [tilespmem:s26+$0x2160];
	v10 =	vadd.f32 v14, v10  }
0x70: {  	v3 =	vadd.f32 v7, v3;
	v7 =	vld [tilespmem:s26+$0x2170];
	v5 =	vadd.f32 v15, v5;
	v9 =	vmax.f32 v9, $0.0e+00  }
0x71: {  	v2 =	vadd.f32 v6, v2;
	v4 =	vadd.f32 v16, v4;
	v6 =	vmax.f32 v10, $0.0e+00;
	[tilespmem:s25+$0xD880] =	vst v9  }
0x72: {  	v1 =	vadd.f32 v8, v1;
	v3 =	vadd.f32 v17, v3;
	v5 =	vmax.f32 v5, $0.0e+00;
	[tilespmem:s25+$0xD890] =	vst v6  }
0x73: {  	v2 =	vadd.f32 v12, v2;
	v4 =	vmax.f32 v4, $0.0e+00;
	[tilespmem:s25+$0xD8A0] =	vst v5  }
0x74: {  	v1 =	vadd.f32 v11, v1;
	v3 =	vmax.f32 v3, $0.0e+00;
	[tilespmem:s25+$0xD8B0] =	vst v4  }
0x75: {  	v0 =	vadd.f32 v7, v0;
	v2 =	vmax.f32 v2, $0.0e+00;
	[tilespmem:s25+$0xD8C0] =	vst v3  }
0x76: {  	p0 =	seq.s32 s24, $0x3;
	s26 =	sshll.u32 s24, $0xB;
	[tilespmem:s25+$0xD8D0] =	vst v2;
	v1 =	vmax.f32 v1, $0.0e+00  }
0x77: {  	s28 =	sshrl.u32 @!p0 s26, $0x2;
	[tilespmem:s25+$0xD8E0] =	vst v1;
	v0 =	vmax.f32 v0, $0.0e+00  }
0x78: {  	s30 =	simm.s32 @!p0 $0x64;
	s31 =	simm.s32 @!p0 $0x800;
	s29 =	sadd.s32 @!p0 $0x200, s28;
	[tilespmem:s25+$0xD8F0] =	vst v0  }
0x79: {  	[tilespmem:s31], [sflag:$0x1] =	stream.indirect.gather @!p0 [hbm4b:s1+s30], $0x80, s29, s30, $0xb8;
	[tilespmem:$0xE880] =	vst v63  }
0x7a: {  	_ =	swait.ge [sflag:s19], $0x3200  }
0x7b: {  	[sflag:s19] =	ssyncset.done $0x0  }
0x7c: {  	[sflag:s19] =	ssyncadd.s32 $0xFFFFCE00  }
0x7d: {  	v8 =	vld [tilespmem:$0xE800]  }
0x7e: {  	v10 =	vld [tilespmem:$0xE810]  }
0x7f: {  	v5 =	vld [tilespmem:$0xE820]  }
0x80: {  	v4 =	vld [tilespmem:$0xE830]  }
0x81: {  	v3 =	vld [tilespmem:$0xE840]  }
0x82: {  	v2 =	vld [tilespmem:$0xE850]  }
0x83: {  	v1 =	vld [tilespmem:$0xE860]  }
0x84: {  	s31 =	simm.s32 $0x0;
	v0 =	vld [tilespmem:$0xE870]  }
0x85: {  	v6 =	vld [tilespmem:s31+$0x3C70]  }
0x86: {  	v9 =	vld [tilespmem:s31+$0x3C00]  }
0x87: {  	v13 =	vld [tilespmem:s31+$0x3C10]  }
0x88: {  	v12 =	vld [tilespmem:s31+$0x3C20]  }
0x89: {  	v11 =	vld [tilespmem:s31+$0x3C30]  }
0x8a: {  	v7 =	vld [tilespmem:s31+$0x3C40]  }
0x8b: {  	v0 =	vadd.f32 v6, v0;
	v6 =	vld [tilespmem:s31+$0x3C50]  }
0x8c: {  	s29 =	simm.s32 $0x80;
	s30 =	simm.s32 $0x400;
	v9 =	vadd.f32 v9, v8;
	v10 =	vadd.f32 v13, v10;
	v8 =	vld [tilespmem:s31+$0x3C60]  }
.LBB2_7:
0x8d: {  	p1 =	sne.s32 s30, $0x6200;
	v13 =	vld [tilespmem:s29+$0x3C70];
	v5 =	vadd.f32 v12, v5  }
0x8e: {  	v14 =	vld [tilespmem:s29+$0x3C00];
	v4 =	vadd.f32 v11, v4  }
0x8f: {  	v15 =	vld [tilespmem:s29+$0x3C10];
	v3 =	vadd.f32 v7, v3  }
.Ltmp4:
0x90: {  	v12 =	vld [tilespmem:s29+$0x3C20];
	v2 =	vadd.f32 v6, v2;
	(pc) =	sbr.rel @p1 .LBB2_7-.Ltmp4, $4  }
0x91: {  	v11 =	vld [tilespmem:s29+$0x3C30];
	v1 =	vadd.f32 v8, v1  }
0x92: {  	v7 =	vld [tilespmem:s29+$0x3C40];
	v0 =	vadd.f32 v13, v0  }
0x93: {  	v9 =	vadd.f32 v14, v9;
	v6 =	vld [tilespmem:s29+$0x3C50]  }
0x94: {  	v10 =	vadd.f32 v15, v10;
	v8 =	vld [tilespmem:s29+$0x3C60];
	s29 =	sshra.s32 s30, $0x2;
	s30 =	sadd.s32 $0x200, s30  }
0x95: {  	v13 =	vld [tilespmem:s29+$0x3C00]  }
0x96: {  	v14 =	vld [tilespmem:s29+$0x3C10]  }
0x97: {  	v15 =	vld [tilespmem:s29+$0x3C20]  }
0x98: {  	v16 =	vld [tilespmem:s29+$0x3C30]  }
0x99: {  	v17 =	vld [tilespmem:s29+$0x3C40]  }
0x9a: {  	v5 =	vadd.f32 v12, v5;
	v12 =	vld [tilespmem:s29+$0x3C50];
	v9 =	vadd.f32 v13, v9  }
0x9b: {  	v4 =	vadd.f32 v11, v4;
	v11 =	vld [tilespmem:s29+$0x3C60];
	v10 =	vadd.f32 v14, v10  }
0x9c: {  	v3 =	vadd.f32 v7, v3;
	v7 =	vld [tilespmem:s29+$0x3C70];
	v5 =	vadd.f32 v15, v5;
	v9 =	vmax.f32 v9, $0.0e+00  }
0x9d: {  	v2 =	vadd.f32 v6, v2;
	v4 =	vadd.f32 v16, v4;
	v6 =	vmax.f32 v10, $0.0e+00;
	[tilespmem:s25+$0xD900] =	vst v9  }
0x9e: {  	v1 =	vadd.f32 v8, v1;
	v3 =	vadd.f32 v17, v3;
	v5 =	vmax.f32 v5, $0.0e+00;
	[tilespmem:s25+$0xD910] =	vst v6  }
0x9f: {  	v2 =	vadd.f32 v12, v2;
	v4 =	vmax.f32 v4, $0.0e+00;
	[tilespmem:s25+$0xD920] =	vst v5  }
0xa0: {  	v1 =	vadd.f32 v11, v1;
	v3 =	vmax.f32 v3, $0.0e+00;
	[tilespmem:s25+$0xD930] =	vst v4  }
0xa1: {  	v0 =	vadd.f32 v7, v0;
	v2 =	vmax.f32 v2, $0.0e+00;
	[tilespmem:s25+$0xD940] =	vst v3  }
0xa2: {  	[tilespmem:s25+$0xD950] =	vst v2;
	v1 =	vmax.f32 v1, $0.0e+00  }
0xa3: {  	[tilespmem:s25+$0xD960] =	vst v1;
	v0 =	vmax.f32 v0, $0.0e+00  }
0xa4: {  	[tilespmem:s25+$0xD970] =	vst v0  }
0xa5: {  	v8 =	vld [tilespmem:$0xE800]  }
0xa6: {  	v10 =	vld [tilespmem:$0xE810]  }
0xa7: {  	v5 =	vld [tilespmem:$0xE820]  }
0xa8: {  	v4 =	vld [tilespmem:$0xE830]  }
0xa9: {  	v3 =	vld [tilespmem:$0xE840]  }
0xaa: {  	v2 =	vld [tilespmem:$0xE850]  }
0xab: {  	v1 =	vld [tilespmem:$0xE860]  }
0xac: {  	s31 =	simm.s32 $0x0;
	v0 =	vld [tilespmem:$0xE870]  }
0xad: {  	v6 =	vld [tilespmem:s31+$0x5570]  }
0xae: {  	v9 =	vld [tilespmem:s31+$0x5500]  }
0xaf: {  	v13 =	vld [tilespmem:s31+$0x5510]  }
0xb0: {  	v12 =	vld [tilespmem:s31+$0x5520]  }
0xb1: {  	v11 =	vld [tilespmem:s31+$0x5530]  }
0xb2: {  	v7 =	vld [tilespmem:s31+$0x5540]  }
0xb3: {  	v0 =	vadd.f32 v6, v0;
	v6 =	vld [tilespmem:s31+$0x5550]  }
0xb4: {  	s30 =	simm.s32 $0x400;
	s29 =	simm.s32 $0x80;
	v9 =	vadd.f32 v9, v8;
	v10 =	vadd.f32 v13, v10;
	v8 =	vld [tilespmem:s31+$0x5560]  }
.LBB2_9:
0xb5: {  	p1 =	sne.s32 s30, $0x6200;
	v13 =	vld [tilespmem:s29+$0x5570];
	v5 =	vadd.f32 v12, v5  }
0xb6: {  	v14 =	vld [tilespmem:s29+$0x5500];
	v4 =	vadd.f32 v11, v4  }
0xb7: {  	v15 =	vld [tilespmem:s29+$0x5510];
	v3 =	vadd.f32 v7, v3  }
.Ltmp5:
0xb8: {  	v12 =	vld [tilespmem:s29+$0x5520];
	v2 =	vadd.f32 v6, v2;
	(pc) =	sbr.rel @p1 .LBB2_9-.Ltmp5, $4  }
0xb9: {  	v11 =	vld [tilespmem:s29+$0x5530];
	v1 =	vadd.f32 v8, v1  }
0xba: {  	v7 =	vld [tilespmem:s29+$0x5540];
	v0 =	vadd.f32 v13, v0  }
0xbb: {  	v9 =	vadd.f32 v14, v9;
	v6 =	vld [tilespmem:s29+$0x5550]  }
0xbc: {  	v10 =	vadd.f32 v15, v10;
	v8 =	vld [tilespmem:s29+$0x5560];
	s29 =	sshra.s32 s30, $0x2;
	s30 =	sadd.s32 $0x200, s30  }
0xbd: {  	v13 =	vld [tilespmem:s29+$0x5500]  }
0xbe: {  	v14 =	vld [tilespmem:s29+$0x5510]  }
0xbf: {  	v15 =	vld [tilespmem:s29+$0x5520]  }
0xc0: {  	v16 =	vld [tilespmem:s29+$0x5530]  }
0xc1: {  	v17 =	vld [tilespmem:s29+$0x5540]  }
0xc2: {  	v5 =	vadd.f32 v12, v5;
	v12 =	vld [tilespmem:s29+$0x5550];
	v9 =	vadd.f32 v13, v9  }
0xc3: {  	v4 =	vadd.f32 v11, v4;
	v11 =	vld [tilespmem:s29+$0x5560];
	v10 =	vadd.f32 v14, v10  }
0xc4: {  	v3 =	vadd.f32 v7, v3;
	v7 =	vld [tilespmem:s29+$0x5570];
	v5 =	vadd.f32 v15, v5;
	v9 =	vmax.f32 v9, $0.0e+00  }
0xc5: {  	v2 =	vadd.f32 v6, v2;
	v4 =	vadd.f32 v16, v4;
	v6 =	vmax.f32 v10, $0.0e+00;
	[tilespmem:s25+$0xD980] =	vst v9  }
0xc6: {  	v1 =	vadd.f32 v8, v1;
	v3 =	vadd.f32 v17, v3;
	v5 =	vmax.f32 v5, $0.0e+00;
	[tilespmem:s25+$0xD990] =	vst v6  }
0xc7: {  	v2 =	vadd.f32 v12, v2;
	v4 =	vmax.f32 v4, $0.0e+00;
	[tilespmem:s25+$0xD9A0] =	vst v5  }
0xc8: {  	v1 =	vadd.f32 v11, v1;
	v3 =	vmax.f32 v3, $0.0e+00;
	[tilespmem:s25+$0xD9B0] =	vst v4  }
0xc9: {  	v0 =	vadd.f32 v7, v0;
	v2 =	vmax.f32 v2, $0.0e+00;
	[tilespmem:s25+$0xD9C0] =	vst v3  }
0xca: {  	[tilespmem:s25+$0xD9D0] =	vst v2;
	v1 =	vmax.f32 v1, $0.0e+00  }
0xcb: {  	[tilespmem:s25+$0xD9E0] =	vst v1;
	v0 =	vmax.f32 v0, $0.0e+00  }
0xcc: {  	s30 =	simm.s32 @!p0 $0x64;
	s31 =	simm.s32 @!p0 $0x3C00;
	s29 =	sadd.s32 @!p0 $0x280, s28;
	[tilespmem:s25+$0xD9F0] =	vst v0  }
0xcd: {  	[tilespmem:s31], [sflag:$0x2] =	stream.indirect.gather @!p0 [hbm4b:s1+s30], $0x80, s29, s30, $0xb8;
	[tilespmem:$0xE880] =	vst v63  }
0xce: {  	_ =	swait.ge [sflag:s20], $0x3200  }
0xcf: {  	[sflag:s20] =	ssyncset.done $0x0  }
0xd0: {  	[sflag:s20] =	ssyncadd.s32 $0xFFFFCE00  }
0xd1: {  	v8 =	vld [tilespmem:$0xE800]  }
0xd2: {  	v10 =	vld [tilespmem:$0xE810]  }
0xd3: {  	v5 =	vld [tilespmem:$0xE820]  }
0xd4: {  	v4 =	vld [tilespmem:$0xE830]  }
0xd5: {  	v3 =	vld [tilespmem:$0xE840]  }
0xd6: {  	v2 =	vld [tilespmem:$0xE850]  }
0xd7: {  	v1 =	vld [tilespmem:$0xE860]  }
0xd8: {  	s31 =	simm.s32 $0x0;
	v0 =	vld [tilespmem:$0xE870]  }
0xd9: {  	v6 =	vld [tilespmem:s31+$0x7070]  }
0xda: {  	v9 =	vld [tilespmem:s31+$0x7000]  }
0xdb: {  	v13 =	vld [tilespmem:s31+$0x7010]  }
0xdc: {  	v12 =	vld [tilespmem:s31+$0x7020]  }
0xdd: {  	v11 =	vld [tilespmem:s31+$0x7030]  }
0xde: {  	v7 =	vld [tilespmem:s31+$0x7040]  }
0xdf: {  	v0 =	vadd.f32 v6, v0;
	v6 =	vld [tilespmem:s31+$0x7050]  }
0xe0: {  	s29 =	simm.s32 $0x80;
	s30 =	simm.s32 $0x400;
	v9 =	vadd.f32 v9, v8;
	v10 =	vadd.f32 v13, v10;
	v8 =	vld [tilespmem:s31+$0x7060]  }
.LBB2_11:
0xe1: {  	p1 =	sne.s32 s30, $0x6200;
	v13 =	vld [tilespmem:s29+$0x7070];
	v5 =	vadd.f32 v12, v5  }
0xe2: {  	v14 =	vld [tilespmem:s29+$0x7000];
	v4 =	vadd.f32 v11, v4  }
0xe3: {  	v15 =	vld [tilespmem:s29+$0x7010];
	v3 =	vadd.f32 v7, v3  }
.Ltmp6:
0xe4: {  	v12 =	vld [tilespmem:s29+$0x7020];
	v2 =	vadd.f32 v6, v2;
	(pc) =	sbr.rel @p1 .LBB2_11-.Ltmp6, $4  }
0xe5: {  	v11 =	vld [tilespmem:s29+$0x7030];
	v1 =	vadd.f32 v8, v1  }
0xe6: {  	v7 =	vld [tilespmem:s29+$0x7040];
	v0 =	vadd.f32 v13, v0  }
0xe7: {  	v9 =	vadd.f32 v14, v9;
	v6 =	vld [tilespmem:s29+$0x7050]  }
0xe8: {  	v10 =	vadd.f32 v15, v10;
	v8 =	vld [tilespmem:s29+$0x7060];
	s29 =	sshra.s32 s30, $0x2;
	s30 =	sadd.s32 $0x200, s30  }
0xe9: {  	v13 =	vld [tilespmem:s29+$0x7000]  }
0xea: {  	v14 =	vld [tilespmem:s29+$0x7010]  }
0xeb: {  	v15 =	vld [tilespmem:s29+$0x7020]  }
0xec: {  	v16 =	vld [tilespmem:s29+$0x7030]  }
0xed: {  	v17 =	vld [tilespmem:s29+$0x7040]  }
0xee: {  	v5 =	vadd.f32 v12, v5;
	v12 =	vld [tilespmem:s29+$0x7050];
	v9 =	vadd.f32 v13, v9  }
0xef: {  	v4 =	vadd.f32 v11, v4;
	v11 =	vld [tilespmem:s29+$0x7060];
	v10 =	vadd.f32 v14, v10  }
0xf0: {  	v3 =	vadd.f32 v7, v3;
	v7 =	vld [tilespmem:s29+$0x7070];
	v5 =	vadd.f32 v15, v5;
	v9 =	vmax.f32 v9, $0.0e+00  }
0xf1: {  	v2 =	vadd.f32 v6, v2;
	v4 =	vadd.f32 v16, v4;
	v6 =	vmax.f32 v10, $0.0e+00;
	[tilespmem:s25+$0xDA00] =	vst v9  }
0xf2: {  	v1 =	vadd.f32 v8, v1;
	v3 =	vadd.f32 v17, v3;
	v5 =	vmax.f32 v5, $0.0e+00;
	[tilespmem:s25+$0xDA10] =	vst v6  }
0xf3: {  	v2 =	vadd.f32 v12, v2;
	v4 =	vmax.f32 v4, $0.0e+00;
	[tilespmem:s25+$0xDA20] =	vst v5  }
0xf4: {  	v1 =	vadd.f32 v11, v1;
	v3 =	vmax.f32 v3, $0.0e+00;
	[tilespmem:s25+$0xDA30] =	vst v4  }
0xf5: {  	v0 =	vadd.f32 v7, v0;
	v2 =	vmax.f32 v2, $0.0e+00;
	[tilespmem:s25+$0xDA40] =	vst v3  }
0xf6: {  	[tilespmem:s25+$0xDA50] =	vst v2;
	v1 =	vmax.f32 v1, $0.0e+00  }
0xf7: {  	[tilespmem:s25+$0xDA60] =	vst v1;
	v0 =	vmax.f32 v0, $0.0e+00  }
0xf8: {  	[tilespmem:s25+$0xDA70] =	vst v0  }
0xf9: {  	v8 =	vld [tilespmem:$0xE800]  }
0xfa: {  	v10 =	vld [tilespmem:$0xE810]  }
0xfb: {  	v5 =	vld [tilespmem:$0xE820]  }
0xfc: {  	v4 =	vld [tilespmem:$0xE830]  }
0xfd: {  	v3 =	vld [tilespmem:$0xE840]  }
0xfe: {  	v2 =	vld [tilespmem:$0xE850]  }
0xff: {  	v1 =	vld [tilespmem:$0xE860]  }
0x100: {  	s31 =	simm.s32 $0x0;
	v0 =	vld [tilespmem:$0xE870]  }
0x101: {  	v6 =	vld [tilespmem:s31+$0x8970]  }
0x102: {  	v9 =	vld [tilespmem:s31+$0x8900]  }
0x103: {  	v13 =	vld [tilespmem:s31+$0x8910]  }
0x104: {  	v12 =	vld [tilespmem:s31+$0x8920]  }
0x105: {  	v11 =	vld [tilespmem:s31+$0x8930]  }
0x106: {  	v7 =	vld [tilespmem:s31+$0x8940]  }
0x107: {  	v0 =	vadd.f32 v6, v0;
	v6 =	vld [tilespmem:s31+$0x8950]  }
0x108: {  	s30 =	simm.s32 $0x400;
	s29 =	simm.s32 $0x80;
	v9 =	vadd.f32 v9, v8;
	v10 =	vadd.f32 v13, v10;
	v8 =	vld [tilespmem:s31+$0x8960]  }
.LBB2_13:
0x109: {  	p1 =	sne.s32 s30, $0x6200;
	v13 =	vld [tilespmem:s29+$0x8970];
	v5 =	vadd.f32 v12, v5  }
0x10a: {  	v14 =	vld [tilespmem:s29+$0x8900];
	v4 =	vadd.f32 v11, v4  }
0x10b: {  	v15 =	vld [tilespmem:s29+$0x8910];
	v3 =	vadd.f32 v7, v3  }
.Ltmp7:
0x10c: {  	v12 =	vld [tilespmem:s29+$0x8920];
	v2 =	vadd.f32 v6, v2;
	(pc) =	sbr.rel @p1 .LBB2_13-.Ltmp7, $4  }
0x10d: {  	v11 =	vld [tilespmem:s29+$0x8930];
	v1 =	vadd.f32 v8, v1  }
0x10e: {  	v7 =	vld [tilespmem:s29+$0x8940];
	v0 =	vadd.f32 v13, v0  }
0x10f: {  	v9 =	vadd.f32 v14, v9;
	v6 =	vld [tilespmem:s29+$0x8950]  }
0x110: {  	v10 =	vadd.f32 v15, v10;
	v8 =	vld [tilespmem:s29+$0x8960];
	s29 =	sshra.s32 s30, $0x2;
	s30 =	sadd.s32 $0x200, s30  }
0x111: {  	v13 =	vld [tilespmem:s29+$0x8900]  }
0x112: {  	v14 =	vld [tilespmem:s29+$0x8910]  }
0x113: {  	v15 =	vld [tilespmem:s29+$0x8920]  }
0x114: {  	v16 =	vld [tilespmem:s29+$0x8930]  }
0x115: {  	v17 =	vld [tilespmem:s29+$0x8940]  }
0x116: {  	v5 =	vadd.f32 v12, v5;
	v12 =	vld [tilespmem:s29+$0x8950];
	v9 =	vadd.f32 v13, v9  }
0x117: {  	v4 =	vadd.f32 v11, v4;
	v11 =	vld [tilespmem:s29+$0x8960];
	v10 =	vadd.f32 v14, v10  }
0x118: {  	v3 =	vadd.f32 v7, v3;
	v7 =	vld [tilespmem:s29+$0x8970];
	v5 =	vadd.f32 v15, v5;
	v9 =	vmax.f32 v9, $0.0e+00  }
0x119: {  	v2 =	vadd.f32 v6, v2;
	v4 =	vadd.f32 v16, v4;
	v6 =	vmax.f32 v10, $0.0e+00;
	[tilespmem:s25+$0xDA80] =	vst v9  }
0x11a: {  	v1 =	vadd.f32 v8, v1;
	v3 =	vadd.f32 v17, v3;
	v5 =	vmax.f32 v5, $0.0e+00;
	[tilespmem:s25+$0xDA90] =	vst v6  }
0x11b: {  	v2 =	vadd.f32 v12, v2;
	v4 =	vmax.f32 v4, $0.0e+00;
	[tilespmem:s25+$0xDAA0] =	vst v5  }
0x11c: {  	v1 =	vadd.f32 v11, v1;
	v3 =	vmax.f32 v3, $0.0e+00;
	[tilespmem:s25+$0xDAB0] =	vst v4  }
0x11d: {  	v0 =	vadd.f32 v7, v0;
	v2 =	vmax.f32 v2, $0.0e+00;
	[tilespmem:s25+$0xDAC0] =	vst v3  }
0x11e: {  	[tilespmem:s25+$0xDAD0] =	vst v2;
	v1 =	vmax.f32 v1, $0.0e+00  }
0x11f: {  	[tilespmem:s25+$0xDAE0] =	vst v1;
	v0 =	vmax.f32 v0, $0.0e+00  }
0x120: {  	s28 =	sadd.s32 @!p0 $0x300, s28;
	s30 =	simm.s32 @!p0 $0x7000;
	s29 =	simm.s32 @!p0 $0x64;
	[tilespmem:s25+$0xDAF0] =	vst v0  }
0x121: {  	[tilespmem:s30], [sflag:$0x3] =	stream.indirect.gather @!p0 [hbm4b:s1+s29], $0x80, s28, s29, $0xb8;
	[tilespmem:$0xE880] =	vst v63  }
0x122: {  	_ =	swait.ge [sflag:s21], $0x3200  }
0x123: {  	[sflag:s21] =	ssyncset.done $0x0  }
0x124: {  	[sflag:s21] =	ssyncadd.s32 $0xFFFFCE00  }
0x125: {  	v8 =	vld [tilespmem:$0xE800]  }
0x126: {  	v10 =	vld [tilespmem:$0xE810]  }
0x127: {  	v5 =	vld [tilespmem:$0xE820]  }
0x128: {  	v4 =	vld [tilespmem:$0xE830]  }
0x129: {  	v3 =	vld [tilespmem:$0xE840]  }
0x12a: {  	v2 =	vld [tilespmem:$0xE850]  }
0x12b: {  	v1 =	vld [tilespmem:$0xE860]  }
0x12c: {  	s31 =	simm.s32 $0x0;
	v0 =	vld [tilespmem:$0xE870]  }
0x12d: {  	v6 =	vld [tilespmem:s31+$0xA470]  }
0x12e: {  	v9 =	vld [tilespmem:s31+$0xA400]  }
0x12f: {  	v13 =	vld [tilespmem:s31+$0xA410]  }
0x130: {  	v12 =	vld [tilespmem:s31+$0xA420]  }
0x131: {  	v11 =	vld [tilespmem:s31+$0xA430]  }
0x132: {  	v7 =	vld [tilespmem:s31+$0xA440]  }
0x133: {  	v0 =	vadd.f32 v6, v0;
	v6 =	vld [tilespmem:s31+$0xA450]  }
0x134: {  	s28 =	simm.s32 $0x80;
	s29 =	simm.s32 $0x400;
	v9 =	vadd.f32 v9, v8;
	v10 =	vadd.f32 v13, v10;
	v8 =	vld [tilespmem:s31+$0xA460]  }
.LBB2_15:
0x135: {  	p1 =	sne.s32 s29, $0x6200;
	v13 =	vld [tilespmem:s28+$0xA470];
	v5 =	vadd.f32 v12, v5  }
0x136: {  	v14 =	vld [tilespmem:s28+$0xA400];
	v4 =	vadd.f32 v11, v4  }
0x137: {  	v15 =	vld [tilespmem:s28+$0xA410];
	v3 =	vadd.f32 v7, v3  }
.Ltmp8:
0x138: {  	v12 =	vld [tilespmem:s28+$0xA420];
	v2 =	vadd.f32 v6, v2;
	(pc) =	sbr.rel @p1 .LBB2_15-.Ltmp8, $4  }
0x139: {  	v11 =	vld [tilespmem:s28+$0xA430];
	v1 =	vadd.f32 v8, v1  }
0x13a: {  	v7 =	vld [tilespmem:s28+$0xA440];
	v0 =	vadd.f32 v13, v0  }
0x13b: {  	v9 =	vadd.f32 v14, v9;
	v6 =	vld [tilespmem:s28+$0xA450]  }
0x13c: {  	v10 =	vadd.f32 v15, v10;
	v8 =	vld [tilespmem:s28+$0xA460];
	s28 =	sshra.s32 s29, $0x2;
	s29 =	sadd.s32 $0x200, s29  }
0x13d: {  	v13 =	vld [tilespmem:s28+$0xA400]  }
0x13e: {  	v14 =	vld [tilespmem:s28+$0xA410]  }
0x13f: {  	v15 =	vld [tilespmem:s28+$0xA420]  }
0x140: {  	v16 =	vld [tilespmem:s28+$0xA430]  }
0x141: {  	v17 =	vld [tilespmem:s28+$0xA440]  }
0x142: {  	v5 =	vadd.f32 v12, v5;
	v12 =	vld [tilespmem:s28+$0xA450];
	v9 =	vadd.f32 v13, v9  }
0x143: {  	v4 =	vadd.f32 v11, v4;
	v11 =	vld [tilespmem:s28+$0xA460];
	v10 =	vadd.f32 v14, v10  }
0x144: {  	v3 =	vadd.f32 v7, v3;
	v7 =	vld [tilespmem:s28+$0xA470];
	v5 =	vadd.f32 v15, v5;
	v9 =	vmax.f32 v9, $0.0e+00  }
0x145: {  	v2 =	vadd.f32 v6, v2;
	v4 =	vadd.f32 v16, v4;
	v6 =	vmax.f32 v10, $0.0e+00;
	[tilespmem:s25+$0xDB00] =	vst v9  }
0x146: {  	v1 =	vadd.f32 v8, v1;
	v3 =	vadd.f32 v17, v3;
	v5 =	vmax.f32 v5, $0.0e+00;
	[tilespmem:s25+$0xDB10] =	vst v6  }
0x147: {  	v2 =	vadd.f32 v12, v2;
	v4 =	vmax.f32 v4, $0.0e+00;
	[tilespmem:s25+$0xDB20] =	vst v5  }
0x148: {  	v1 =	vadd.f32 v11, v1;
	v3 =	vmax.f32 v3, $0.0e+00;
	[tilespmem:s25+$0xDB30] =	vst v4  }
0x149: {  	v0 =	vadd.f32 v7, v0;
	v2 =	vmax.f32 v2, $0.0e+00;
	[tilespmem:s25+$0xDB40] =	vst v3  }
0x14a: {  	[tilespmem:s25+$0xDB50] =	vst v2;
	v1 =	vmax.f32 v1, $0.0e+00  }
0x14b: {  	[tilespmem:s25+$0xDB60] =	vst v1;
	v0 =	vmax.f32 v0, $0.0e+00  }
0x14c: {  	[tilespmem:s25+$0xDB70] =	vst v0  }
0x14d: {  	v8 =	vld [tilespmem:$0xE800]  }
0x14e: {  	v10 =	vld [tilespmem:$0xE810]  }
0x14f: {  	v5 =	vld [tilespmem:$0xE820]  }
0x150: {  	v4 =	vld [tilespmem:$0xE830]  }
0x151: {  	v3 =	vld [tilespmem:$0xE840]  }
0x152: {  	v2 =	vld [tilespmem:$0xE850]  }
0x153: {  	v1 =	vld [tilespmem:$0xE860]  }
0x154: {  	s30 =	simm.s32 $0x0;
	v0 =	vld [tilespmem:$0xE870]  }
0x155: {  	v6 =	vld [tilespmem:s30+$0xBD70]  }
0x156: {  	v9 =	vld [tilespmem:s30+$0xBD00]  }
0x157: {  	v13 =	vld [tilespmem:s30+$0xBD10]  }
0x158: {  	v12 =	vld [tilespmem:s30+$0xBD20]  }
0x159: {  	v11 =	vld [tilespmem:s30+$0xBD30]  }
0x15a: {  	v7 =	vld [tilespmem:s30+$0xBD40]  }
0x15b: {  	v0 =	vadd.f32 v6, v0;
	v6 =	vld [tilespmem:s30+$0xBD50]  }
0x15c: {  	s29 =	simm.s32 $0x400;
	s28 =	simm.s32 $0x80;
	v9 =	vadd.f32 v9, v8;
	v10 =	vadd.f32 v13, v10;
	v8 =	vld [tilespmem:s30+$0xBD60]  }
.LBB2_17:
0x15d: {  	p1 =	sne.s32 s29, $0x6200;
	v13 =	vld [tilespmem:s28+$0xBD70];
	v5 =	vadd.f32 v12, v5  }
0x15e: {  	v14 =	vld [tilespmem:s28+$0xBD00];
	v4 =	vadd.f32 v11, v4  }
0x15f: {  	v15 =	vld [tilespmem:s28+$0xBD10];
	v3 =	vadd.f32 v7, v3  }
.Ltmp9:
0x160: {  	v12 =	vld [tilespmem:s28+$0xBD20];
	v2 =	vadd.f32 v6, v2;
	(pc) =	sbr.rel @p1 .LBB2_17-.Ltmp9, $4  }
0x161: {  	v11 =	vld [tilespmem:s28+$0xBD30];
	v1 =	vadd.f32 v8, v1  }
0x162: {  	v7 =	vld [tilespmem:s28+$0xBD40];
	v0 =	vadd.f32 v13, v0  }
0x163: {  	v9 =	vadd.f32 v14, v9;
	v6 =	vld [tilespmem:s28+$0xBD50]  }
0x164: {  	v10 =	vadd.f32 v15, v10;
	v8 =	vld [tilespmem:s28+$0xBD60];
	s28 =	sshra.s32 s29, $0x2;
	s29 =	sadd.s32 $0x200, s29  }
0x165: {  	v13 =	vld [tilespmem:s28+$0xBD00]  }
0x166: {  	v14 =	vld [tilespmem:s28+$0xBD10]  }
0x167: {  	v15 =	vld [tilespmem:s28+$0xBD20]  }
0x168: {  	v16 =	vld [tilespmem:s28+$0xBD30]  }
0x169: {  	v17 =	vld [tilespmem:s28+$0xBD40]  }
0x16a: {  	v5 =	vadd.f32 v12, v5;
	v60 =	vld [tilespmem:s28+$0xBD50];
	v9 =	vadd.f32 v13, v9  }
0x16b: {  	v62 =	vld [tilespmem:s28+$0xBD70];
	v4 =	vadd.f32 v11, v4;
	v10 =	vadd.f32 v14, v10  }
0x16c: {  	v61 =	vld [tilespmem:s28+$0xBD60];
	v3 =	vadd.f32 v7, v3;
	v5 =	vadd.f32 v15, v5;
	v9 =	vmax.f32 v9, $0.0e+00  }
0x16d: {  	v2 =	vadd.f32 v6, v2;
	v4 =	vadd.f32 v16, v4;
	v63 =	vmax.f32 v10, $0.0e+00;
	[tilespmem:s25+$0xDB80] =	vst v9  }
0x16e: {  	v3 =	vadd.f32 v17, v3;
	v5 =	vmax.f32 v5, $0.0e+00;
	[tilespmem:s25+$0xDB90] =	vst v63  }
0x16f: {  	v1 =	vadd.f32 v8, v1;
	v2 =	vadd.f32 v60, v2;
	v4 =	vmax.f32 v4, $0.0e+00;
	[tilespmem:s25+$0xDBA0] =	vst v5  }
.Ltmp10:
0x170: {  	v0 =	vadd.f32 v62, v0;
	v3 =	vmax.f32 v3, $0.0e+00;
	[tilespmem:s25+$0xDBB0] =	vst v4;
	(pc) =	sbr.rel @p0 .LBB2_20-.Ltmp10, $4  }
0x171: {  	v1 =	vadd.f32 v61, v1;
	v2 =	vmax.f32 v2, $0.0e+00;
	[tilespmem:s25+$0xDBC0] =	vst v3  }
0x172: {  	v0 =	vmax.f32 v0, $0.0e+00;
	[tilespmem:s25+$0xDBD0] =	vst v2  }
0x173: {  	v1 =	vmax.f32 v1, $0.0e+00;
	[tilespmem:s25+$0xDBF0] =	vst v0  }
0x174: {  	[tilespmem:s25+$0xDBE0] =	vst v1  }
.Ltmp11:
0x175: {  	(pc) =	sbr.rel .LBB2_2-.Ltmp11, $4  }
0x176: {  	_ = 	snop  }
0x177: {  	s25 =	sshrl.u32 s26, $0x2  }
0x178: {  	s24 =	sadd.s32 $0x1, s24;
	s25 =	sadd.s32 $0x380, s25  }
0x179: {  	[tilespmem:s17], [sflag:$0x4] =	stream.indirect.gather [hbm4b:s1+s10], $0x80, s25, s10, $0xb8;
	[tilespmem:$0xE880] =	vst v63  }
.LBB2_21:
0x17a: {  	_ =	sfence.sel $0x180000  }
0x17b: {  	[bflag:$0x0] =	sbarrier.arrive $0xFFFF  }
0x17c: {  	p0 =	sne.s32 s0, $0x0;
	_ =	strace $0x90000047  }
0x17d: {  	s0 =	sadd.s32 @!p0 $0x100000, s2;
	[bflag:$0x2] =	sbarrier.arrive $0xFFFF  }
0x17e: {  	[sflag:s0] =	ssyncadd.tile.s32 @!p0 $0x1;
	_ =	shalt  }
.Lfunc_end2:
_tile_overlayer_lowered:
.L_overlay_start_2:
0x17f: {  	(tag) =	ssettag $0x2  }
0x180: {  	s0 =	rddreg [dreg:$0x0];
	s2 =	stileid.u32  }
0x181: {  	s1 =	rddreg [dreg:$0x1];
	p0 =	sne.s32 s2, $0x0  }
0x182: {  	s3 =	rddreg [dreg:$0x2];
	[bflag:$0x3] =	sbarrier.arrive $0xFFFF;
	s2 =	simm.s32 @!p0 $0x1C05  }
0x183: {  	[timem:s3], [sflag:s2] =	dma.local @!p0 [hbm:s0], s1  }
0x184: {  	s0 =	simm.s32 @!p0 $0x5  }
0x185: {  	_ =	swait.ge @!p0 [sflag:s0], s1  }
0x186: {  	s1 =	ssub.s32 @!p0 $0x0, s1;
	[sflag:s0] =	ssyncset.done @!p0 $0x0  }
0x187: {  	[sflag:s0] =	ssyncadd.s32 @!p0 s1  }
0x188: {  	[bflag:$0x3] =	sbarrier.arrive $0xFFFF  }
0x189: {  	_ =	shalt  }

</sc_bundles>
